<compile_context>
chip_gen: v7x
topology: tpu7x:2x2x1
jax: 0.10.2.dev20260603
libtpu: 0.0.44.dev20260713+nightly
codegen_flags: <defaults>
</compile_context>

<pallas_src>
import jax
import jax.numpy as jnp
import numpy as np
from jax import lax
from jax.experimental import pallas as pl
from jax.experimental.pallas import tpu as pltpu
from jax.experimental.pallas import tpu_sc as plsc

OUTPUT_SIZE = 768
WIN = 16
NUM_BINS = 96

NC = 2
NS = 16
NW = NC * NS
L = 16

B_TOTAL = 4 * 8192
B_PER_W = B_TOTAL // NW
N_WINDOWS = B_PER_W // WIN
_bins = (440.0 * 2.0 ** ((np.arange(NUM_BINS, dtype=np.float32) - 48.0) / 12.0)
         ).astype(np.float32)
_MIDS = tuple(float(m) for m in
              ((_bins[:-1] + _bins[1:]) * 0.5).astype(np.float32))


def _pitch_encode_body(sig_hbm, table_hbm, out_hbm,
                       sig_v, table_v, table_sh, sem0):
    sid = lax.axis_index("s")
    wid = sid * NC + lax.axis_index("c")
    base = wid * B_PER_W

    @pl.when(sid == 0)
    def _stage_table():
        pltpu.sync_copy(table_hbm, table_sh)

    pltpu.sync_copy(sig_hbm.at[pl.ds(base, B_PER_W)], sig_v)

    plsc.subcore_barrier()
    pltpu.sync_copy(table_sh, table_v)

    iota = lax.iota(jnp.int32, L)
    dnums = lax.GatherDimensionNumbers(
        offset_dims=(), collapsed_slice_dims=(0,), start_index_map=(0,))

    def lane_perm(x, idx):
        return lax.gather(x, idx[:, None], dnums, slice_sizes=(1,),
                          mode=lax.GatherScatterMode.PROMISE_IN_BOUNDS)

    perms = [iota ^ sh for sh in (1, 2, 4, 8)]

    def window_dma_wait():
        pltpu.make_async_copy(table_v.at[pl.ds(0, WIN)],
                              out_hbm.at[pl.ds(base, WIN)], sem0).wait()

    def emit_window(w):
        v = sig_v[pl.ds(w * WIN, WIN)]
        s = v
        for p in perms:
            s = s + lane_perm(s, p)
        sig = jnp.where(v != 0.0, s * (1.0 / WIN),
                        jnp.zeros((L,), jnp.float32))
        acc = jnp.zeros((L,), jnp.int32)
        one = jnp.ones((L,), jnp.int32)
        zero = jnp.zeros((L,), jnp.int32)
        for m in _MIDS:
            acc = acc + jnp.where(sig > m, one, zero)
        for j in range(WIN):
            pltpu.async_copy(table_v.at[pl.ds(acc[j], 1)],
                             out_hbm.at[pl.ds(base + w * WIN + j, 1)], sem0)

    LAG = 8

    def window_body(w, carry):
        emit_window(w)

        @pl.when(w >= LAG)
        def _drain_lagged():
            window_dma_wait()

        return carry

    lax.fori_loop(0, N_WINDOWS, window_body, 0)
    for _ in range(LAG):
        window_dma_wait()


@jax.jit
def _pitch_encode(signals_flat, emb_table):
    mesh = plsc.VectorSubcoreMesh(core_axis_name="c", subcore_axis_name="s")
    return pl.kernel(
        _pitch_encode_body,
        out_type=jax.ShapeDtypeStruct((B_TOTAL, OUTPUT_SIZE), jnp.float32),
        mesh=mesh,
        scratch_types=[
            pltpu.VMEM((B_PER_W,), jnp.float32),
            pltpu.VMEM((NUM_BINS, OUTPUT_SIZE), jnp.float32),
            pltpu.VMEM_SHARED((NUM_BINS, OUTPUT_SIZE), jnp.float32),
            pltpu.SemaphoreType.DMA,
        ],
    )(signals_flat, emb_table)


def kernel(signals, emb_table):
    if signals.ndim == 3 and signals.shape[-1] == 1:
        signals = signals[..., 0]
    B, W = signals.shape
    out = _pitch_encode(signals.reshape(-1), emb_table)
    return out.reshape(B, W, OUTPUT_SIZE)

# --- scband reference (transcript-rebuilt; emitter-appended) ---
"""Pipeline reference for scband-quantized-pitch-encoder-58858231824416 (READ-ONLY COPY).

The authoritative reference and input builder live on the scoring server;
editing this copy changes nothing except your own understanding.
"""

import jax, jax.numpy as jnp
import numpy as np

OUTPUT_SIZE = 768
WIN = 16
NUM_BINS = 96

def setup_inputs(seed: int = 0) -> dict:
    key = jax.random.key(seed)
    k1, k2 = jax.random.split(key)
    signals = jax.random.uniform(k1, (4, 8192), dtype=jnp.float32)
    emb_table = jax.random.normal(k2, (NUM_BINS, OUTPUT_SIZE), dtype=jnp.float32) * 0.02
    return {"signals": signals, "emb_table": emb_table}

def reference(signals, emb_table):
    win = WIN
    bins = 440.0 * 2.0 ** ((jnp.arange(NUM_BINS, dtype=jnp.float32) - 48.0) / 12.0)
    if signals.ndim == 3 and signals.shape[-1] == 1:
        signals = signals[..., 0]
    assert signals.ndim == 2
    x = signals[:, None, :]
    orig_w = x.shape[-1]
    pad_length = win - (x.shape[-1] % win)
    if pad_length != win:
        x = jnp.pad(x, ((0, 0), (0, 0), (0, pad_length)))
    mask = ~jnp.isnan(x)
    masked_x = jnp.where(mask, x, jnp.zeros_like(x))
    B, C, Wp = masked_x.shape
    # conv1d with ones kernel, stride=win, in_channels=1 == windowed sum
    sum_pooled = masked_x.reshape(B, C, Wp // win, win).sum(axis=-1)
    valid_count = mask.astype(jnp.float32).reshape(B, C, Wp // win, win).sum(axis=-1)
    valid_count = jnp.clip(valid_count, 1.0, None)
    avg_pooled = sum_pooled / valid_count
    expanded = jnp.repeat(avg_pooled, win, axis=-1)
    sig = jnp.where(masked_x != 0, expanded, masked_x)[:, :, :orig_w]
    sig = sig[:, 0, :]
    idx = jnp.argmin(jnp.abs(sig[..., None] - bins), axis=-1)
    out = jnp.take(emb_table, idx, axis=0)
    return out

if __name__ == "__main__":
    import jax
    _d = setup_inputs()
    print(jax.jit(kernel)(*tuple(_d.values())))

</pallas_src>

<mosaic_0001>
#map = affine_map<(d0, d1) -> (0)>
#map1 = affine_map<(d0, d1) -> (0, 0)>
module attributes {stable_mosaic.version = 14 : i64} {
  func.func @_pitch_encode_body(%arg0: i32, %arg1: i32, %arg2: memref<32768xf32, #tpu.memory_space<hbm>>, %arg3: memref<96x768xf32, #tpu.memory_space<hbm>>, %arg4: memref<32768x768xf32, #tpu.memory_space<hbm>>, %arg5: memref<1024xf32, #tpu.memory_space<vmem>>, %arg6: memref<96x768xf32, #tpu.memory_space<vmem>>, %arg7: memref<96x768xf32, #tpu.memory_space<vmem_shared>>, %arg8: memref<!tpu.dma_semaphore, #tpu.memory_space<semaphore_mem>>) attributes {dimension_semantics = [#tpu.dimension_semantics<core_parallel>, #tpu.dimension_semantics<subcore_parallel>], iteration_bounds = array<i64: 2, 16>, scalar_prefetch = 0 : i64, scratch_operands = 4 : i64, tpu.core_type = #tpu.core_type<sc_vector_subcore>, window_params = [{transform_indices = #map}, {transform_indices = #map1}, {transform_indices = #map1}]} {
    %mul3A = arith.constant 2 : i32
    %mul3A_0 = arith.muli %arg1, %mul3A : i32
    %add3A = arith.addi %mul3A_0, %arg0 : i32
    %mul3A_1 = arith.constant 1024 : i32
    %mul3A_2 = arith.muli %add3A, %mul3A_1 : i32
    %eq3A = arith.constant 0 : i32
    %eq3A_3 = arith.cmpi eq, %arg1, %eq3A : i32
    %convert_element_type3A = arith.extui %eq3A_3 : i1 to i32
    %cond3A = arith.constant 0 : i32
    %cond3A_4 = arith.cmpi ne, %convert_element_type3A, %cond3A : i32
    scf.if %cond3A_4 {
      "tpu.region"() ({
        %run_scoped3A = tpu.sem_alloc : memref<!tpu.dma_semaphore, #tpu.memory_space<semaphore_mem>>
        tpu.enqueue_dma source(%arg3 : memref<96x768xf32, #tpu.memory_space<hbm>>) target(%arg7 : memref<96x768xf32, #tpu.memory_space<vmem_shared>>) target_semaphore(%run_scoped3A : memref<!tpu.dma_semaphore, #tpu.memory_space<semaphore_mem>>)
        tpu.wait_dma2 semaphore(%run_scoped3A : memref<!tpu.dma_semaphore, #tpu.memory_space<semaphore_mem>>) src(%arg3 : memref<96x768xf32, #tpu.memory_space<hbm>>) dst(%arg7 : memref<96x768xf32, #tpu.memory_space<vmem_shared>>)
        tpu.yield
      }) : () -> ()
    } else {
    }
    "tpu.region"() ({
      %run_scoped3A = tpu.sem_alloc : memref<!tpu.dma_semaphore, #tpu.memory_space<semaphore_mem>>
      %dma_start3A = tpu.memref_slice %arg2[%mul3A_2] : memref<32768xf32, #tpu.memory_space<hbm>> -> memref<1024xf32, #tpu.memory_space<hbm>>
      %dma_start3A_100 = tpu.memref_slice %arg2[%mul3A_2] : memref<32768xf32, #tpu.memory_space<hbm>> -> memref<1024xf32, #tpu.memory_space<hbm>>
      tpu.enqueue_dma source(%dma_start3A_100 : memref<1024xf32, #tpu.memory_space<hbm>>) target(%arg5 : memref<1024xf32, #tpu.memory_space<vmem>>) target_semaphore(%run_scoped3A : memref<!tpu.dma_semaphore, #tpu.memory_space<semaphore_mem>>)
      %dma_wait3A_101 = tpu.memref_slice %arg2[%mul3A_2] : memref<32768xf32, #tpu.memory_space<hbm>> -> memref<1024xf32, #tpu.memory_space<hbm>>
      %dma_wait3A_102 = tpu.memref_slice %arg2[%mul3A_2] : memref<32768xf32, #tpu.memory_space<hbm>> -> memref<1024xf32, #tpu.memory_space<hbm>>
      tpu.wait_dma2 semaphore(%run_scoped3A : memref<!tpu.dma_semaphore, #tpu.memory_space<semaphore_mem>>) src(%dma_wait3A_102 : memref<1024xf32, #tpu.memory_space<hbm>>) dst(%arg5 : memref<1024xf32, #tpu.memory_space<vmem>>)
      tpu.yield
    }) : () -> ()
    %barrier3A = arith.constant 0 : index
    tpu.barrier barrier_id(%barrier3A)
    "tpu.region"() ({
      %run_scoped3A = tpu.sem_alloc : memref<!tpu.dma_semaphore, #tpu.memory_space<semaphore_mem>>
      tpu.enqueue_dma source(%arg7 : memref<96x768xf32, #tpu.memory_space<vmem_shared>>) target(%arg6 : memref<96x768xf32, #tpu.memory_space<vmem>>) target_semaphore(%run_scoped3A : memref<!tpu.dma_semaphore, #tpu.memory_space<semaphore_mem>>)
      tpu.wait_dma2 semaphore(%run_scoped3A : memref<!tpu.dma_semaphore, #tpu.memory_space<semaphore_mem>>) src(%arg7 : memref<96x768xf32, #tpu.memory_space<vmem_shared>>) dst(%arg6 : memref<96x768xf32, #tpu.memory_space<vmem>>)
      tpu.yield
    }) : () -> ()
    %iota3A = tpu.iota {dimensions = array<i32: 0>} : vector<16xi32>
    %xor3A = arith.constant 1 : i32
    %xor3A_5 = vector.broadcast %xor3A : i32 to vector<16xi32>
    %xor3A_6 = arith.xori %iota3A, %xor3A_5 : vector<16xi32>
    %xor3A_7 = arith.constant 2 : i32
    %xor3A_8 = vector.broadcast %xor3A_7 : i32 to vector<16xi32>
    %xor3A_9 = arith.xori %iota3A, %xor3A_8 : vector<16xi32>
    %xor3A_10 = arith.constant 4 : i32
    %xor3A_11 = vector.broadcast %xor3A_10 : i32 to vector<16xi32>
    %xor3A_12 = arith.xori %iota3A, %xor3A_11 : vector<16xi32>
    %xor3A_13 = arith.constant 8 : i32
    %xor3A_14 = vector.broadcast %xor3A_13 : i32 to vector<16xi32>
    %xor3A_15 = arith.xori %iota3A, %xor3A_14 : vector<16xi32>
    %scan3A = arith.constant 0 : i32
    %scan3A_16 = arith.constant 0 : i32
    %scan3A_17 = arith.constant 64 : i32
    %scan3A_18 = arith.addi %scan3A_16, %scan3A_17 : i32
    %scan3A_19 = arith.constant 1 : i32
    scf.for %scan3A_100 = %scan3A_16 to %scan3A_18 step %scan3A_19  : i32 {
      %mul3A_101 = arith.constant 16 : i32
      %mul3A_102 = arith.muli %scan3A_100, %mul3A_101 : i32
      %get3A = arith.index_cast %mul3A_102 : i32 to index
      %get3A_103 = tpu.vector_load %arg5[%get3A] {strides = array<i32>} : memref<1024xf32, #tpu.memory_space<vmem>>, vector<16xf32>,
      %get3A_104 = vector.shape_cast %get3A_103 : vector<16xf32> to vector<16xf32>
      %broadcast_in_dim3A = vector.shape_cast %xor3A_6 : vector<16xi32> to vector<16x1xi32>
      %gather3A = vector.shape_cast %broadcast_in_dim3A : vector<16x1xi32> to vector<16xi32>
      %gather3A_105 = tpu.dynamic_gather %get3A_104[%gather3A] in [0] : vector<16xf32>, vector<16xi32> -> vector<16xf32>
      %add3A_106 = arith.addf %get3A_104, %gather3A_105 : vector<16xf32>
      %broadcast_in_dim3A_107 = vector.shape_cast %xor3A_9 : vector<16xi32> to vector<16x1xi32>
      %gather3A_108 = vector.shape_cast %broadcast_in_dim3A_107 : vector<16x1xi32> to vector<16xi32>
      %gather3A_109 = tpu.dynamic_gather %add3A_106[%gather3A_108] in [0] : vector<16xf32>, vector<16xi32> -> vector<16xf32>
      %add3A_110 = arith.addf %add3A_106, %gather3A_109 : vector<16xf32>
      %broadcast_in_dim3A_111 = vector.shape_cast %xor3A_12 : vector<16xi32> to vector<16x1xi32>
      %gather3A_112 = vector.shape_cast %broadcast_in_dim3A_111 : vector<16x1xi32> to vector<16xi32>
      %gather3A_113 = tpu.dynamic_gather %add3A_110[%gather3A_112] in [0] : vector<16xf32>, vector<16xi32> -> vector<16xf32>
      %add3A_114 = arith.addf %add3A_110, %gather3A_113 : vector<16xf32>
      %broadcast_in_dim3A_115 = vector.shape_cast %xor3A_15 : vector<16xi32> to vector<16x1xi32>
      %gather3A_116 = vector.shape_cast %broadcast_in_dim3A_115 : vector<16x1xi32> to vector<16xi32>
      %gather3A_117 = tpu.dynamic_gather %add3A_114[%gather3A_116] in [0] : vector<16xf32>, vector<16xi32> -> vector<16xf32>
      %add3A_118 = arith.addf %add3A_114, %gather3A_117 : vector<16xf32>
      %ne3A = arith.constant 0.000000e+00 : f32
      %ne3A_119 = vector.broadcast %ne3A : f32 to vector<16xf32>
      %ne3A_120 = arith.cmpf one, %get3A_104, %ne3A_119 : vector<16xf32>
      %mul3A_121 = arith.constant 6.250000e-02 : f32
      %mul3A_122 = vector.broadcast %mul3A_121 : f32 to vector<16xf32>
      %mul3A_123 = arith.mulf %add3A_118, %mul3A_122 : vector<16xf32>
      %broadcast_in_dim3A_124 = arith.constant 0.000000e+00 : f32
      %broadcast_in_dim3A_125 = vector.broadcast %broadcast_in_dim3A_124 : f32 to vector<16xf32>
      %select_n3A = arith.select %ne3A_120, %mul3A_123, %broadcast_in_dim3A_125 : vector<16xi1>, vector<16xf32>
      %broadcast_in_dim3A_126 = arith.constant 0 : i32
      %broadcast_in_dim3A_127 = vector.broadcast %broadcast_in_dim3A_126 : i32 to vector<16xi32>
      %broadcast_in_dim3A_128 = arith.constant 1 : i32
      %broadcast_in_dim3A_129 = vector.broadcast %broadcast_in_dim3A_128 : i32 to vector<16xi32>
      %broadcast_in_dim3A_130 = arith.constant 0 : i32
      %broadcast_in_dim3A_131 = vector.broadcast %broadcast_in_dim3A_130 : i32 to vector<16xi32>
      %gt3A = arith.constant 28.3176155 : f32
      %gt3A_132 = vector.broadcast %gt3A : f32 to vector<16xf32>
      %gt3A_133 = arith.cmpf ogt, %select_n3A, %gt3A_132 : vector<16xf32>
      %select_n3A_134 = arith.select %gt3A_133, %broadcast_in_dim3A_129, %broadcast_in_dim3A_131 : vector<16xi1>, vector<16xi32>
      %add3A_135 = arith.addi %broadcast_in_dim3A_127, %select_n3A_134 : vector<16xi32>
      %gt3A_136 = arith.constant 30.0014725 : f32
      %gt3A_137 = vector.broadcast %gt3A_136 : f32 to vector<16xf32>
      %gt3A_138 = arith.cmpf ogt, %select_n3A, %gt3A_137 : vector<16xf32>
      %select_n3A_139 = arith.select %gt3A_138, %broadcast_in_dim3A_129, %broadcast_in_dim3A_131 : vector<16xi1>, vector<16xi32>
      %add3A_140 = arith.addi %add3A_135, %select_n3A_139 : vector<16xi32>
      %gt3A_141 = arith.constant 31.7854519 : f32
      %gt3A_142 = vector.broadcast %gt3A_141 : f32 to vector<16xf32>
      %gt3A_143 = arith.cmpf ogt, %select_n3A, %gt3A_142 : vector<16xf32>
      %select_n3A_144 = arith.select %gt3A_143, %broadcast_in_dim3A_129, %broadcast_in_dim3A_131 : vector<16xi1>, vector<16xi32>
      %add3A_145 = arith.addi %add3A_140, %select_n3A_144 : vector<16xi32>
      %gt3A_146 = arith.constant 33.6755104 : f32
      %gt3A_147 = vector.broadcast %gt3A_146 : f32 to vector<16xf32>
      %gt3A_148 = arith.cmpf ogt, %select_n3A, %gt3A_147 : vector<16xf32>
      %select_n3A_149 = arith.select %gt3A_148, %broadcast_in_dim3A_129, %broadcast_in_dim3A_131 : vector<16xi1>, vector<16xi32>
      %add3A_150 = arith.addi %add3A_145, %select_n3A_149 : vector<16xi32>
      %gt3A_151 = arith.constant 35.6779633 : f32
      %gt3A_152 = vector.broadcast %gt3A_151 : f32 to vector<16xf32>
      %gt3A_153 = arith.cmpf ogt, %select_n3A, %gt3A_152 : vector<16xf32>
      %select_n3A_154 = arith.select %gt3A_153, %broadcast_in_dim3A_129, %broadcast_in_dim3A_131 : vector<16xi1>, vector<16xi32>
      %add3A_155 = arith.addi %add3A_150, %select_n3A_154 : vector<16xi32>
      %gt3A_156 = arith.constant 37.7994843 : f32
      %gt3A_157 = vector.broadcast %gt3A_156 : f32 to vector<16xf32>
      %gt3A_158 = arith.cmpf ogt, %select_n3A, %gt3A_157 : vector<16xf32>
      %select_n3A_159 = arith.select %gt3A_158, %broadcast_in_dim3A_129, %broadcast_in_dim3A_131 : vector<16xi1>, vector<16xi32>
      %add3A_160 = arith.addi %add3A_155, %select_n3A_159 : vector<16xi32>
      %gt3A_161 = arith.constant 40.0471573 : f32
      %gt3A_162 = vector.broadcast %gt3A_161 : f32 to vector<16xf32>
      %gt3A_163 = arith.cmpf ogt, %select_n3A, %gt3A_162 : vector<16xf32>
      %select_n3A_164 = arith.select %gt3A_163, %broadcast_in_dim3A_129, %broadcast_in_dim3A_131 : vector<16xi1>, vector<16xi32>
      %add3A_165 = arith.addi %add3A_160, %select_n3A_164 : vector<16xi32>
      %gt3A_166 = arith.constant 42.4284859 : f32
      %gt3A_167 = vector.broadcast %gt3A_166 : f32 to vector<16xf32>
      %gt3A_168 = arith.cmpf ogt, %select_n3A, %gt3A_167 : vector<16xf32>
      %select_n3A_169 = arith.select %gt3A_168, %broadcast_in_dim3A_129, %broadcast_in_dim3A_131 : vector<16xi1>, vector<16xi32>
      %add3A_170 = arith.addi %add3A_165, %select_n3A_169 : vector<16xi32>
      %gt3A_171 = arith.constant 44.951416 : f32
      %gt3A_172 = vector.broadcast %gt3A_171 : f32 to vector<16xf32>
      %gt3A_173 = arith.cmpf ogt, %select_n3A, %gt3A_172 : vector<16xf32>
      %select_n3A_174 = arith.select %gt3A_173, %broadcast_in_dim3A_129, %broadcast_in_dim3A_131 : vector<16xi1>, vector<16xi32>
      %add3A_175 = arith.addi %add3A_170, %select_n3A_174 : vector<16xi32>
      %gt3A_176 = arith.constant 47.6243668 : f32
      %gt3A_177 = vector.broadcast %gt3A_176 : f32 to vector<16xf32>
      %gt3A_178 = arith.cmpf ogt, %select_n3A, %gt3A_177 : vector<16xf32>
      %select_n3A_179 = arith.select %gt3A_178, %broadcast_in_dim3A_129, %broadcast_in_dim3A_131 : vector<16xi1>, vector<16xi32>
      %add3A_180 = arith.addi %add3A_175, %select_n3A_179 : vector<16xi32>
      %gt3A_181 = arith.constant 50.4562607 : f32
      %gt3A_182 = vector.broadcast %gt3A_181 : f32 to vector<16xf32>
      %gt3A_183 = arith.cmpf ogt, %select_n3A, %gt3A_182 : vector<16xf32>
      %select_n3A_184 = arith.select %gt3A_183, %broadcast_in_dim3A_129, %broadcast_in_dim3A_131 : vector<16xi1>, vector<16xi32>
      %add3A_185 = arith.addi %add3A_180, %select_n3A_184 : vector<16xi32>
      %gt3A_186 = arith.constant 53.456543 : f32
      %gt3A_187 = vector.broadcast %gt3A_186 : f32 to vector<16xf32>
      %gt3A_188 = arith.cmpf ogt, %select_n3A, %gt3A_187 : vector<16xf32>
      %select_n3A_189 = arith.select %gt3A_188, %broadcast_in_dim3A_129, %broadcast_in_dim3A_131 : vector<16xi1>, vector<16xi32>
      %add3A_190 = arith.addi %add3A_185, %select_n3A_189 : vector<16xi32>
      %gt3A_191 = arith.constant 56.635231 : f32
      %gt3A_192 = vector.broadcast %gt3A_191 : f32 to vector<16xf32>
      %gt3A_193 = arith.cmpf ogt, %select_n3A, %gt3A_192 : vector<16xf32>
      %select_n3A_194 = arith.select %gt3A_193, %broadcast_in_dim3A_129, %broadcast_in_dim3A_131 : vector<16xi1>, vector<16xi32>
      %add3A_195 = arith.addi %add3A_190, %select_n3A_194 : vector<16xi32>
      %gt3A_196 = arith.constant 60.0029449 : f32
      %gt3A_197 = vector.broadcast %gt3A_196 : f32 to vector<16xf32>
      %gt3A_198 = arith.cmpf ogt, %select_n3A, %gt3A_197 : vector<16xf32>
      %select_n3A_199 = arith.select %gt3A_198, %broadcast_in_dim3A_129, %broadcast_in_dim3A_131 : vector<16xi1>, vector<16xi32>
      %add3A_200 = arith.addi %add3A_195, %select_n3A_199 : vector<16xi32>
      %gt3A_201 = arith.constant 63.5709038 : f32
      %gt3A_202 = vector.broadcast %gt3A_201 : f32 to vector<16xf32>
      %gt3A_203 = arith.cmpf ogt, %select_n3A, %gt3A_202 : vector<16xf32>
      %select_n3A_204 = arith.select %gt3A_203, %broadcast_in_dim3A_129, %broadcast_in_dim3A_131 : vector<16xi1>, vector<16xi32>
      %add3A_205 = arith.addi %add3A_200, %select_n3A_204 : vector<16xi32>
      %gt3A_206 = arith.constant 67.3510208 : f32
      %gt3A_207 = vector.broadcast %gt3A_206 : f32 to vector<16xf32>
      %gt3A_208 = arith.cmpf ogt, %select_n3A, %gt3A_207 : vector<16xf32>
      %select_n3A_209 = arith.select %gt3A_208, %broadcast_in_dim3A_129, %broadcast_in_dim3A_131 : vector<16xi1>, vector<16xi32>
      %add3A_210 = arith.addi %add3A_205, %select_n3A_209 : vector<16xi32>
      %gt3A_211 = arith.constant 71.3559265 : f32
      %gt3A_212 = vector.broadcast %gt3A_211 : f32 to vector<16xf32>
      %gt3A_213 = arith.cmpf ogt, %select_n3A, %gt3A_212 : vector<16xf32>
      %select_n3A_214 = arith.select %gt3A_213, %broadcast_in_dim3A_129, %broadcast_in_dim3A_131 : vector<16xi1>, vector<16xi32>
      %add3A_215 = arith.addi %add3A_210, %select_n3A_214 : vector<16xi32>
      %gt3A_216 = arith.constant 75.5989685 : f32
      %gt3A_217 = vector.broadcast %gt3A_216 : f32 to vector<16xf32>
      %gt3A_218 = arith.cmpf ogt, %select_n3A, %gt3A_217 : vector<16xf32>
      %select_n3A_219 = arith.select %gt3A_218, %broadcast_in_dim3A_129, %broadcast_in_dim3A_131 : vector<16xi1>, vector<16xi32>
      %add3A_220 = arith.addi %add3A_215, %select_n3A_219 : vector<16xi32>
      %gt3A_221 = arith.constant 80.0943145 : f32
      %gt3A_222 = vector.broadcast %gt3A_221 : f32 to vector<16xf32>
      %gt3A_223 = arith.cmpf ogt, %select_n3A, %gt3A_222 : vector<16xf32>
      %select_n3A_224 = arith.select %gt3A_223, %broadcast_in_dim3A_129, %broadcast_in_dim3A_131 : vector<16xi1>, vector<16xi32>
      %add3A_225 = arith.addi %add3A_220, %select_n3A_224 : vector<16xi32>
      %gt3A_226 = arith.constant 84.8569717 : f32
      %gt3A_227 = vector.broadcast %gt3A_226 : f32 to vector<16xf32>
      %gt3A_228 = arith.cmpf ogt, %select_n3A, %gt3A_227 : vector<16xf32>
      %select_n3A_229 = arith.select %gt3A_228, %broadcast_in_dim3A_129, %broadcast_in_dim3A_131 : vector<16xi1>, vector<16xi32>
      %add3A_230 = arith.addi %add3A_225, %select_n3A_229 : vector<16xi32>
      %gt3A_231 = arith.constant 89.902832 : f32
      %gt3A_232 = vector.broadcast %gt3A_231 : f32 to vector<16xf32>
      %gt3A_233 = arith.cmpf ogt, %select_n3A, %gt3A_232 : vector<16xf32>
      %select_n3A_234 = arith.select %gt3A_233, %broadcast_in_dim3A_129, %broadcast_in_dim3A_131 : vector<16xi1>, vector<16xi32>
      %add3A_235 = arith.addi %add3A_230, %select_n3A_234 : vector<16xi32>
      %gt3A_236 = arith.constant 95.2487335 : f32
      %gt3A_237 = vector.broadcast %gt3A_236 : f32 to vector<16xf32>
      %gt3A_238 = arith.cmpf ogt, %select_n3A, %gt3A_237 : vector<16xf32>
      %select_n3A_239 = arith.select %gt3A_238, %broadcast_in_dim3A_129, %broadcast_in_dim3A_131 : vector<16xi1>, vector<16xi32>
      %add3A_240 = arith.addi %add3A_235, %select_n3A_239 : vector<16xi32>
      %gt3A_241 = arith.constant 100.912521 : f32
      %gt3A_242 = vector.broadcast %gt3A_241 : f32 to vector<16xf32>
      %gt3A_243 = arith.cmpf ogt, %select_n3A, %gt3A_242 : vector<16xf32>
      %select_n3A_244 = arith.select %gt3A_243, %broadcast_in_dim3A_129, %broadcast_in_dim3A_131 : vector<16xi1>, vector<16xi32>
      %add3A_245 = arith.addi %add3A_240, %select_n3A_244 : vector<16xi32>
      %gt3A_246 = arith.constant 106.913086 : f32
      %gt3A_247 = vector.broadcast %gt3A_246 : f32 to vector<16xf32>
      %gt3A_248 = arith.cmpf ogt, %select_n3A, %gt3A_247 : vector<16xf32>
      %select_n3A_249 = arith.select %gt3A_248, %broadcast_in_dim3A_129, %broadcast_in_dim3A_131 : vector<16xi1>, vector<16xi32>
      %add3A_250 = arith.addi %add3A_245, %select_n3A_249 : vector<16xi32>
      %gt3A_251 = arith.constant 113.270462 : f32
      %gt3A_252 = vector.broadcast %gt3A_251 : f32 to vector<16xf32>
      %gt3A_253 = arith.cmpf ogt, %select_n3A, %gt3A_252 : vector<16xf32>
      %select_n3A_254 = arith.select %gt3A_253, %broadcast_in_dim3A_129, %broadcast_in_dim3A_131 : vector<16xi1>, vector<16xi32>
      %add3A_255 = arith.addi %add3A_250, %select_n3A_254 : vector<16xi32>
      %gt3A_256 = arith.constant 120.005875 : f32
      %gt3A_257 = vector.broadcast %gt3A_256 : f32 to vector<16xf32>
      %gt3A_258 = arith.cmpf ogt, %select_n3A, %gt3A_257 : vector<16xf32>
      %select_n3A_259 = arith.select %gt3A_258, %broadcast_in_dim3A_129, %broadcast_in_dim3A_131 : vector<16xi1>, vector<16xi32>
      %add3A_260 = arith.addi %add3A_255, %select_n3A_259 : vector<16xi32>
      %gt3A_261 = arith.constant 127.1418 : f32
      %gt3A_262 = vector.broadcast %gt3A_261 : f32 to vector<16xf32>
      %gt3A_263 = arith.cmpf ogt, %select_n3A, %gt3A_262 : vector<16xf32>
      %select_n3A_264 = arith.select %gt3A_263, %broadcast_in_dim3A_129, %broadcast_in_dim3A_131 : vector<16xi1>, vector<16xi32>
      %add3A_265 = arith.addi %add3A_260, %select_n3A_264 : vector<16xi32>
      %gt3A_266 = arith.constant 134.702057 : f32
      %gt3A_267 = vector.broadcast %gt3A_266 : f32 to vector<16xf32>
      %gt3A_268 = arith.cmpf ogt, %select_n3A, %gt3A_267 : vector<16xf32>
      %select_n3A_269 = arith.select %gt3A_268, %broadcast_in_dim3A_129, %broadcast_in_dim3A_131 : vector<16xi1>, vector<16xi32>
      %add3A_270 = arith.addi %add3A_265, %select_n3A_269 : vector<16xi32>
      %gt3A_271 = arith.constant 142.711853 : f32
      %gt3A_272 = vector.broadcast %gt3A_271 : f32 to vector<16xf32>
      %gt3A_273 = arith.cmpf ogt, %select_n3A, %gt3A_272 : vector<16xf32>
      %select_n3A_274 = arith.select %gt3A_273, %broadcast_in_dim3A_129, %broadcast_in_dim3A_131 : vector<16xi1>, vector<16xi32>
      %add3A_275 = arith.addi %add3A_270, %select_n3A_274 : vector<16xi32>
      %gt3A_276 = arith.constant 151.197937 : f32
      %gt3A_277 = vector.broadcast %gt3A_276 : f32 to vector<16xf32>
      %gt3A_278 = arith.cmpf ogt, %select_n3A, %gt3A_277 : vector<16xf32>
      %select_n3A_279 = arith.select %gt3A_278, %broadcast_in_dim3A_129, %broadcast_in_dim3A_131 : vector<16xi1>, vector<16xi32>
      %add3A_280 = arith.addi %add3A_275, %select_n3A_279 : vector<16xi32>
      %gt3A_281 = arith.constant 160.188629 : f32
      %gt3A_282 = vector.broadcast %gt3A_281 : f32 to vector<16xf32>
      %gt3A_283 = arith.cmpf ogt, %select_n3A, %gt3A_282 : vector<16xf32>
      %select_n3A_284 = arith.select %gt3A_283, %broadcast_in_dim3A_129, %broadcast_in_dim3A_131 : vector<16xi1>, vector<16xi32>
      %add3A_285 = arith.addi %add3A_280, %select_n3A_284 : vector<16xi32>
      %gt3A_286 = arith.constant 169.713959 : f32
      %gt3A_287 = vector.broadcast %gt3A_286 : f32 to vector<16xf32>
      %gt3A_288 = arith.cmpf ogt, %select_n3A, %gt3A_287 : vector<16xf32>
      %select_n3A_289 = arith.select %gt3A_288, %broadcast_in_dim3A_129, %broadcast_in_dim3A_131 : vector<16xi1>, vector<16xi32>
      %add3A_290 = arith.addi %add3A_285, %select_n3A_289 : vector<16xi32>
      %gt3A_291 = arith.constant 179.805664 : f32
      %gt3A_292 = vector.broadcast %gt3A_291 : f32 to vector<16xf32>
      %gt3A_293 = arith.cmpf ogt, %select_n3A, %gt3A_292 : vector<16xf32>
      %select_n3A_294 = arith.select %gt3A_293, %broadcast_in_dim3A_129, %broadcast_in_dim3A_131 : vector<16xi1>, vector<16xi32>
      %add3A_295 = arith.addi %add3A_290, %select_n3A_294 : vector<16xi32>
      %gt3A_296 = arith.constant 190.497467 : f32
      %gt3A_297 = vector.broadcast %gt3A_296 : f32 to vector<16xf32>
      %gt3A_298 = arith.cmpf ogt, %select_n3A, %gt3A_297 : vector<16xf32>
      %select_n3A_299 = arith.select %gt3A_298, %broadcast_in_dim3A_129, %broadcast_in_dim3A_131 : vector<16xi1>, vector<16xi32>
      %add3A_300 = arith.addi %add3A_295, %select_n3A_299 : vector<16xi32>
      %gt3A_301 = arith.constant 201.825043 : f32
      %gt3A_302 = vector.broadcast %gt3A_301 : f32 to vector<16xf32>
      %gt3A_303 = arith.cmpf ogt, %select_n3A, %gt3A_302 : vector<16xf32>
      %select_n3A_304 = arith.select %gt3A_303, %broadcast_in_dim3A_129, %broadcast_in_dim3A_131 : vector<16xi1>, vector<16xi32>
      %add3A_305 = arith.addi %add3A_300, %select_n3A_304 : vector<16xi32>
      %gt3A_306 = arith.constant 213.826172 : f32
      %gt3A_307 = vector.broadcast %gt3A_306 : f32 to vector<16xf32>
      %gt3A_308 = arith.cmpf ogt, %select_n3A, %gt3A_307 : vector<16xf32>
      %select_n3A_309 = arith.select %gt3A_308, %broadcast_in_dim3A_129, %broadcast_in_dim3A_131 : vector<16xi1>, vector<16xi32>
      %add3A_310 = arith.addi %add3A_305, %select_n3A_309 : vector<16xi32>
      %gt3A_311 = arith.constant 226.540924 : f32
      %gt3A_312 = vector.broadcast %gt3A_311 : f32 to vector<16xf32>
      %gt3A_313 = arith.cmpf ogt, %select_n3A, %gt3A_312 : vector<16xf32>
      %select_n3A_314 = arith.select %gt3A_313, %broadcast_in_dim3A_129, %broadcast_in_dim3A_131 : vector<16xi1>, vector<16xi32>
      %add3A_315 = arith.addi %add3A_310, %select_n3A_314 : vector<16xi32>
      %gt3A_316 = arith.constant 240.011749 : f32
      %gt3A_317 = vector.broadcast %gt3A_316 : f32 to vector<16xf32>
      %gt3A_318 = arith.cmpf ogt, %select_n3A, %gt3A_317 : vector<16xf32>
      %select_n3A_319 = arith.select %gt3A_318, %broadcast_in_dim3A_129, %broadcast_in_dim3A_131 : vector<16xi1>, vector<16xi32>
      %add3A_320 = arith.addi %add3A_315, %select_n3A_319 : vector<16xi32>
      %gt3A_321 = arith.constant 254.2836 : f32
      %gt3A_322 = vector.broadcast %gt3A_321 : f32 to vector<16xf32>
      %gt3A_323 = arith.cmpf ogt, %select_n3A, %gt3A_322 : vector<16xf32>
      %select_n3A_324 = arith.select %gt3A_323, %broadcast_in_dim3A_129, %broadcast_in_dim3A_131 : vector<16xi1>, vector<16xi32>
      %add3A_325 = arith.addi %add3A_320, %select_n3A_324 : vector<16xi32>
      %gt3A_326 = arith.constant 269.404083 : f32
      %gt3A_327 = vector.broadcast %gt3A_326 : f32 to vector<16xf32>
      %gt3A_328 = arith.cmpf ogt, %select_n3A, %gt3A_327 : vector<16xf32>
      %select_n3A_329 = arith.select %gt3A_328, %broadcast_in_dim3A_129, %broadcast_in_dim3A_131 : vector<16xi1>, vector<16xi32>
      %add3A_330 = arith.addi %add3A_325, %select_n3A_329 : vector<16xi32>
      %gt3A_331 = arith.constant 285.423706 : f32
      %gt3A_332 = vector.broadcast %gt3A_331 : f32 to vector<16xf32>
      %gt3A_333 = arith.cmpf ogt, %select_n3A, %gt3A_332 : vector<16xf32>
      %select_n3A_334 = arith.select %gt3A_333, %broadcast_in_dim3A_129, %broadcast_in_dim3A_131 : vector<16xi1>, vector<16xi32>
      %add3A_335 = arith.addi %add3A_330, %select_n3A_334 : vector<16xi32>
      %gt3A_336 = arith.constant 302.395874 : f32
      %gt3A_337 = vector.broadcast %gt3A_336 : f32 to vector<16xf32>
      %gt3A_338 = arith.cmpf ogt, %select_n3A, %gt3A_337 : vector<16xf32>
      %select_n3A_339 = arith.select %gt3A_338, %broadcast_in_dim3A_129, %broadcast_in_dim3A_131 : vector<16xi1>, vector<16xi32>
      %add3A_340 = arith.addi %add3A_335, %select_n3A_339 : vector<16xi32>
      %gt3A_341 = arith.constant 320.377258 : f32
      %gt3A_342 = vector.broadcast %gt3A_341 : f32 to vector<16xf32>
      %gt3A_343 = arith.cmpf ogt, %select_n3A, %gt3A_342 : vector<16xf32>
      %select_n3A_344 = arith.select %gt3A_343, %broadcast_in_dim3A_129, %broadcast_in_dim3A_131 : vector<16xi1>, vector<16xi32>
      %add3A_345 = arith.addi %add3A_340, %select_n3A_344 : vector<16xi32>
      %gt3A_346 = arith.constant 339.427917 : f32
      %gt3A_347 = vector.broadcast %gt3A_346 : f32 to vector<16xf32>
      %gt3A_348 = arith.cmpf ogt, %select_n3A, %gt3A_347 : vector<16xf32>
      %select_n3A_349 = arith.select %gt3A_348, %broadcast_in_dim3A_129, %broadcast_in_dim3A_131 : vector<16xi1>, vector<16xi32>
      %add3A_350 = arith.addi %add3A_345, %select_n3A_349 : vector<16xi32>
      %gt3A_351 = arith.constant 359.611328 : f32
      %gt3A_352 = vector.broadcast %gt3A_351 : f32 to vector<16xf32>
      %gt3A_353 = arith.cmpf ogt, %select_n3A, %gt3A_352 : vector<16xf32>
      %select_n3A_354 = arith.select %gt3A_353, %broadcast_in_dim3A_129, %broadcast_in_dim3A_131 : vector<16xi1>, vector<16xi32>
      %add3A_355 = arith.addi %add3A_350, %select_n3A_354 : vector<16xi32>
      %gt3A_356 = arith.constant 380.994934 : f32
      %gt3A_357 = vector.broadcast %gt3A_356 : f32 to vector<16xf32>
      %gt3A_358 = arith.cmpf ogt, %select_n3A, %gt3A_357 : vector<16xf32>
      %select_n3A_359 = arith.select %gt3A_358, %broadcast_in_dim3A_129, %broadcast_in_dim3A_131 : vector<16xi1>, vector<16xi32>
      %add3A_360 = arith.addi %add3A_355, %select_n3A_359 : vector<16xi32>
      %gt3A_361 = arith.constant 403.650055 : f32
      %gt3A_362 = vector.broadcast %gt3A_361 : f32 to vector<16xf32>
      %gt3A_363 = arith.cmpf ogt, %select_n3A, %gt3A_362 : vector<16xf32>
      %select_n3A_364 = arith.select %gt3A_363, %broadcast_in_dim3A_129, %broadcast_in_dim3A_131 : vector<16xi1>, vector<16xi32>
      %add3A_365 = arith.addi %add3A_360, %select_n3A_364 : vector<16xi32>
      %gt3A_366 = arith.constant 427.652344 : f32
      %gt3A_367 = vector.broadcast %gt3A_366 : f32 to vector<16xf32>
      %gt3A_368 = arith.cmpf ogt, %select_n3A, %gt3A_367 : vector<16xf32>
      %select_n3A_369 = arith.select %gt3A_368, %broadcast_in_dim3A_129, %broadcast_in_dim3A_131 : vector<16xi1>, vector<16xi32>
      %add3A_370 = arith.addi %add3A_365, %select_n3A_369 : vector<16xi32>
      %gt3A_371 = arith.constant 453.081848 : f32
      %gt3A_372 = vector.broadcast %gt3A_371 : f32 to vector<16xf32>
      %gt3A_373 = arith.cmpf ogt, %select_n3A, %gt3A_372 : vector<16xf32>
      %select_n3A_374 = arith.select %gt3A_373, %broadcast_in_dim3A_129, %broadcast_in_dim3A_131 : vector<16xi1>, vector<16xi32>
      %add3A_375 = arith.addi %add3A_370, %select_n3A_374 : vector<16xi32>
      %gt3A_376 = arith.constant 480.023499 : f32
      %gt3A_377 = vector.broadcast %gt3A_376 : f32 to vector<16xf32>
      %gt3A_378 = arith.cmpf ogt, %select_n3A, %gt3A_377 : vector<16xf32>
      %select_n3A_379 = arith.select %gt3A_378, %broadcast_in_dim3A_129, %broadcast_in_dim3A_131 : vector<16xi1>, vector<16xi32>
      %add3A_380 = arith.addi %add3A_375, %select_n3A_379 : vector<16xi32>
      %gt3A_381 = arith.constant 508.5672 : f32
      %gt3A_382 = vector.broadcast %gt3A_381 : f32 to vector<16xf32>
      %gt3A_383 = arith.cmpf ogt, %select_n3A, %gt3A_382 : vector<16xf32>
      %select_n3A_384 = arith.select %gt3A_383, %broadcast_in_dim3A_129, %broadcast_in_dim3A_131 : vector<16xi1>, vector<16xi32>
      %add3A_385 = arith.addi %add3A_380, %select_n3A_384 : vector<16xi32>
      %gt3A_386 = arith.constant 538.808228 : f32
      %gt3A_387 = vector.broadcast %gt3A_386 : f32 to vector<16xf32>
      %gt3A_388 = arith.cmpf ogt, %select_n3A, %gt3A_387 : vector<16xf32>
      %select_n3A_389 = arith.select %gt3A_388, %broadcast_in_dim3A_129, %broadcast_in_dim3A_131 : vector<16xi1>, vector<16xi32>
      %add3A_390 = arith.addi %add3A_385, %select_n3A_389 : vector<16xi32>
      %gt3A_391 = arith.constant 570.847412 : f32
      %gt3A_392 = vector.broadcast %gt3A_391 : f32 to vector<16xf32>
      %gt3A_393 = arith.cmpf ogt, %select_n3A, %gt3A_392 : vector<16xf32>
      %select_n3A_394 = arith.select %gt3A_393, %broadcast_in_dim3A_129, %broadcast_in_dim3A_131 : vector<16xi1>, vector<16xi32>
      %add3A_395 = arith.addi %add3A_390, %select_n3A_394 : vector<16xi32>
      %gt3A_396 = arith.constant 604.791748 : f32
      %gt3A_397 = vector.broadcast %gt3A_396 : f32 to vector<16xf32>
      %gt3A_398 = arith.cmpf ogt, %select_n3A, %gt3A_397 : vector<16xf32>
      %select_n3A_399 = arith.select %gt3A_398, %broadcast_in_dim3A_129, %broadcast_in_dim3A_131 : vector<16xi1>, vector<16xi32>
      %add3A_400 = arith.addi %add3A_395, %select_n3A_399 : vector<16xi32>
      %gt3A_401 = arith.constant 640.754517 : f32
      %gt3A_402 = vector.broadcast %gt3A_401 : f32 to vector<16xf32>
      %gt3A_403 = arith.cmpf ogt, %select_n3A, %gt3A_402 : vector<16xf32>
      %select_n3A_404 = arith.select %gt3A_403, %broadcast_in_dim3A_129, %broadcast_in_dim3A_131 : vector<16xi1>, vector<16xi32>
      %add3A_405 = arith.addi %add3A_400, %select_n3A_404 : vector<16xi32>
      %gt3A_406 = arith.constant 678.855835 : f32
      %gt3A_407 = vector.broadcast %gt3A_406 : f32 to vector<16xf32>
      %gt3A_408 = arith.cmpf ogt, %select_n3A, %gt3A_407 : vector<16xf32>
      %select_n3A_409 = arith.select %gt3A_408, %broadcast_in_dim3A_129, %broadcast_in_dim3A_131 : vector<16xi1>, vector<16xi32>
      %add3A_410 = arith.addi %add3A_405, %select_n3A_409 : vector<16xi32>
      %gt3A_411 = arith.constant 719.222656 : f32
      %gt3A_412 = vector.broadcast %gt3A_411 : f32 to vector<16xf32>
      %gt3A_413 = arith.cmpf ogt, %select_n3A, %gt3A_412 : vector<16xf32>
      %select_n3A_414 = arith.select %gt3A_413, %broadcast_in_dim3A_129, %broadcast_in_dim3A_131 : vector<16xi1>, vector<16xi32>
      %add3A_415 = arith.addi %add3A_410, %select_n3A_414 : vector<16xi32>
      %gt3A_416 = arith.constant 761.989868 : f32
      %gt3A_417 = vector.broadcast %gt3A_416 : f32 to vector<16xf32>
      %gt3A_418 = arith.cmpf ogt, %select_n3A, %gt3A_417 : vector<16xf32>
      %select_n3A_419 = arith.select %gt3A_418, %broadcast_in_dim3A_129, %broadcast_in_dim3A_131 : vector<16xi1>, vector<16xi32>
      %add3A_420 = arith.addi %add3A_415, %select_n3A_419 : vector<16xi32>
      %gt3A_421 = arith.constant 807.300171 : f32
      %gt3A_422 = vector.broadcast %gt3A_421 : f32 to vector<16xf32>
      %gt3A_423 = arith.cmpf ogt, %select_n3A, %gt3A_422 : vector<16xf32>
      %select_n3A_424 = arith.select %gt3A_423, %broadcast_in_dim3A_129, %broadcast_in_dim3A_131 : vector<16xi1>, vector<16xi32>
      %add3A_425 = arith.addi %add3A_420, %select_n3A_424 : vector<16xi32>
      %gt3A_426 = arith.constant 855.304688 : f32
      %gt3A_427 = vector.broadcast %gt3A_426 : f32 to vector<16xf32>
      %gt3A_428 = arith.cmpf ogt, %select_n3A, %gt3A_427 : vector<16xf32>
      %select_n3A_429 = arith.select %gt3A_428, %broadcast_in_dim3A_129, %broadcast_in_dim3A_131 : vector<16xi1>, vector<16xi32>
      %add3A_430 = arith.addi %add3A_425, %select_n3A_429 : vector<16xi32>
      %gt3A_431 = arith.constant 906.163696 : f32
      %gt3A_432 = vector.broadcast %gt3A_431 : f32 to vector<16xf32>
      %gt3A_433 = arith.cmpf ogt, %select_n3A, %gt3A_432 : vector<16xf32>
      %select_n3A_434 = arith.select %gt3A_433, %broadcast_in_dim3A_129, %broadcast_in_dim3A_131 : vector<16xi1>, vector<16xi32>
      %add3A_435 = arith.addi %add3A_430, %select_n3A_434 : vector<16xi32>
      %gt3A_436 = arith.constant 960.046997 : f32
      %gt3A_437 = vector.broadcast %gt3A_436 : f32 to vector<16xf32>
      %gt3A_438 = arith.cmpf ogt, %select_n3A, %gt3A_437 : vector<16xf32>
      %select_n3A_439 = arith.select %gt3A_438, %broadcast_in_dim3A_129, %broadcast_in_dim3A_131 : vector<16xi1>, vector<16xi32>
      %add3A_440 = arith.addi %add3A_435, %select_n3A_439 : vector<16xi32>
      %gt3A_441 = arith.constant 1017.1344 : f32
      %gt3A_442 = vector.broadcast %gt3A_441 : f32 to vector<16xf32>
      %gt3A_443 = arith.cmpf ogt, %select_n3A, %gt3A_442 : vector<16xf32>
      %select_n3A_444 = arith.select %gt3A_443, %broadcast_in_dim3A_129, %broadcast_in_dim3A_131 : vector<16xi1>, vector<16xi32>
      %add3A_445 = arith.addi %add3A_440, %select_n3A_444 : vector<16xi32>
      %gt3A_446 = arith.constant 1077.61646 : f32
      %gt3A_447 = vector.broadcast %gt3A_446 : f32 to vector<16xf32>
      %gt3A_448 = arith.cmpf ogt, %select_n3A, %gt3A_447 : vector<16xf32>
      %select_n3A_449 = arith.select %gt3A_448, %broadcast_in_dim3A_129, %broadcast_in_dim3A_131 : vector<16xi1>, vector<16xi32>
      %add3A_450 = arith.addi %add3A_445, %select_n3A_449 : vector<16xi32>
      %gt3A_451 = arith.constant 1141.69482 : f32
      %gt3A_452 = vector.broadcast %gt3A_451 : f32 to vector<16xf32>
      %gt3A_453 = arith.cmpf ogt, %select_n3A, %gt3A_452 : vector<16xf32>
      %select_n3A_454 = arith.select %gt3A_453, %broadcast_in_dim3A_129, %broadcast_in_dim3A_131 : vector<16xi1>, vector<16xi32>
      %add3A_455 = arith.addi %add3A_450, %select_n3A_454 : vector<16xi32>
      %gt3A_456 = arith.constant 1209.5835 : f32
      %gt3A_457 = vector.broadcast %gt3A_456 : f32 to vector<16xf32>
      %gt3A_458 = arith.cmpf ogt, %select_n3A, %gt3A_457 : vector<16xf32>
      %select_n3A_459 = arith.select %gt3A_458, %broadcast_in_dim3A_129, %broadcast_in_dim3A_131 : vector<16xi1>, vector<16xi32>
      %add3A_460 = arith.addi %add3A_455, %select_n3A_459 : vector<16xi32>
      %gt3A_461 = arith.constant 1281.50903 : f32
      %gt3A_462 = vector.broadcast %gt3A_461 : f32 to vector<16xf32>
      %gt3A_463 = arith.cmpf ogt, %select_n3A, %gt3A_462 : vector<16xf32>
      %select_n3A_464 = arith.select %gt3A_463, %broadcast_in_dim3A_129, %broadcast_in_dim3A_131 : vector<16xi1>, vector<16xi32>
      %add3A_465 = arith.addi %add3A_460, %select_n3A_464 : vector<16xi32>
      %gt3A_466 = arith.constant 1357.71167 : f32
      %gt3A_467 = vector.broadcast %gt3A_466 : f32 to vector<16xf32>
      %gt3A_468 = arith.cmpf ogt, %select_n3A, %gt3A_467 : vector<16xf32>
      %select_n3A_469 = arith.select %gt3A_468, %broadcast_in_dim3A_129, %broadcast_in_dim3A_131 : vector<16xi1>, vector<16xi32>
      %add3A_470 = arith.addi %add3A_465, %select_n3A_469 : vector<16xi32>
      %gt3A_471 = arith.constant 1438.44531 : f32
      %gt3A_472 = vector.broadcast %gt3A_471 : f32 to vector<16xf32>
      %gt3A_473 = arith.cmpf ogt, %select_n3A, %gt3A_472 : vector<16xf32>
      %select_n3A_474 = arith.select %gt3A_473, %broadcast_in_dim3A_129, %broadcast_in_dim3A_131 : vector<16xi1>, vector<16xi32>
      %add3A_475 = arith.addi %add3A_470, %select_n3A_474 : vector<16xi32>
      %gt3A_476 = arith.constant 1523.97974 : f32
      %gt3A_477 = vector.broadcast %gt3A_476 : f32 to vector<16xf32>
      %gt3A_478 = arith.cmpf ogt, %select_n3A, %gt3A_477 : vector<16xf32>
      %select_n3A_479 = arith.select %gt3A_478, %broadcast_in_dim3A_129, %broadcast_in_dim3A_131 : vector<16xi1>, vector<16xi32>
      %add3A_480 = arith.addi %add3A_475, %select_n3A_479 : vector<16xi32>
      %gt3A_481 = arith.constant 1614.60034 : f32
      %gt3A_482 = vector.broadcast %gt3A_481 : f32 to vector<16xf32>
      %gt3A_483 = arith.cmpf ogt, %select_n3A, %gt3A_482 : vector<16xf32>
      %select_n3A_484 = arith.select %gt3A_483, %broadcast_in_dim3A_129, %broadcast_in_dim3A_131 : vector<16xi1>, vector<16xi32>
      %add3A_485 = arith.addi %add3A_480, %select_n3A_484 : vector<16xi32>
      %gt3A_486 = arith.constant 1710.60938 : f32
      %gt3A_487 = vector.broadcast %gt3A_486 : f32 to vector<16xf32>
      %gt3A_488 = arith.cmpf ogt, %select_n3A, %gt3A_487 : vector<16xf32>
      %select_n3A_489 = arith.select %gt3A_488, %broadcast_in_dim3A_129, %broadcast_in_dim3A_131 : vector<16xi1>, vector<16xi32>
      %add3A_490 = arith.addi %add3A_485, %select_n3A_489 : vector<16xi32>
      %gt3A_491 = arith.constant 1812.32739 : f32
      %gt3A_492 = vector.broadcast %gt3A_491 : f32 to vector<16xf32>
      %gt3A_493 = arith.cmpf ogt, %select_n3A, %gt3A_492 : vector<16xf32>
      %select_n3A_494 = arith.select %gt3A_493, %broadcast_in_dim3A_129, %broadcast_in_dim3A_131 : vector<16xi1>, vector<16xi32>
      %add3A_495 = arith.addi %add3A_490, %select_n3A_494 : vector<16xi32>
      %gt3A_496 = arith.constant 1920.09424 : f32
      %gt3A_497 = vector.broadcast %gt3A_496 : f32 to vector<16xf32>
      %gt3A_498 = arith.cmpf ogt, %select_n3A, %gt3A_497 : vector<16xf32>
      %select_n3A_499 = arith.select %gt3A_498, %broadcast_in_dim3A_129, %broadcast_in_dim3A_131 : vector<16xi1>, vector<16xi32>
      %add3A_500 = arith.addi %add3A_495, %select_n3A_499 : vector<16xi32>
      %gt3A_501 = arith.constant 2034.26892 : f32
      %gt3A_502 = vector.broadcast %gt3A_501 : f32 to vector<16xf32>
      %gt3A_503 = arith.cmpf ogt, %select_n3A, %gt3A_502 : vector<16xf32>
      %select_n3A_504 = arith.select %gt3A_503, %broadcast_in_dim3A_129, %broadcast_in_dim3A_131 : vector<16xi1>, vector<16xi32>
      %add3A_505 = arith.addi %add3A_500, %select_n3A_504 : vector<16xi32>
      %gt3A_506 = arith.constant 2155.23267 : f32
      %gt3A_507 = vector.broadcast %gt3A_506 : f32 to vector<16xf32>
      %gt3A_508 = arith.cmpf ogt, %select_n3A, %gt3A_507 : vector<16xf32>
      %select_n3A_509 = arith.select %gt3A_508, %broadcast_in_dim3A_129, %broadcast_in_dim3A_131 : vector<16xi1>, vector<16xi32>
      %add3A_510 = arith.addi %add3A_505, %select_n3A_509 : vector<16xi32>
      %gt3A_511 = arith.constant 2283.38965 : f32
      %gt3A_512 = vector.broadcast %gt3A_511 : f32 to vector<16xf32>
      %gt3A_513 = arith.cmpf ogt, %select_n3A, %gt3A_512 : vector<16xf32>
      %select_n3A_514 = arith.select %gt3A_513, %broadcast_in_dim3A_129, %broadcast_in_dim3A_131 : vector<16xi1>, vector<16xi32>
      %add3A_515 = arith.addi %add3A_510, %select_n3A_514 : vector<16xi32>
      %gt3A_516 = arith.constant 2419.16699 : f32
      %gt3A_517 = vector.broadcast %gt3A_516 : f32 to vector<16xf32>
      %gt3A_518 = arith.cmpf ogt, %select_n3A, %gt3A_517 : vector<16xf32>
      %select_n3A_519 = arith.select %gt3A_518, %broadcast_in_dim3A_129, %broadcast_in_dim3A_131 : vector<16xi1>, vector<16xi32>
      %add3A_520 = arith.addi %add3A_515, %select_n3A_519 : vector<16xi32>
      %gt3A_521 = arith.constant 2563.01807 : f32
      %gt3A_522 = vector.broadcast %gt3A_521 : f32 to vector<16xf32>
      %gt3A_523 = arith.cmpf ogt, %select_n3A, %gt3A_522 : vector<16xf32>
      %select_n3A_524 = arith.select %gt3A_523, %broadcast_in_dim3A_129, %broadcast_in_dim3A_131 : vector<16xi1>, vector<16xi32>
      %add3A_525 = arith.addi %add3A_520, %select_n3A_524 : vector<16xi32>
      %gt3A_526 = arith.constant 2715.4231 : f32
      %gt3A_527 = vector.broadcast %gt3A_526 : f32 to vector<16xf32>
      %gt3A_528 = arith.cmpf ogt, %select_n3A, %gt3A_527 : vector<16xf32>
      %select_n3A_529 = arith.select %gt3A_528, %broadcast_in_dim3A_129, %broadcast_in_dim3A_131 : vector<16xi1>, vector<16xi32>
      %add3A_530 = arith.addi %add3A_525, %select_n3A_529 : vector<16xi32>
      %gt3A_531 = arith.constant 2876.89063 : f32
      %gt3A_532 = vector.broadcast %gt3A_531 : f32 to vector<16xf32>
      %gt3A_533 = arith.cmpf ogt, %select_n3A, %gt3A_532 : vector<16xf32>
      %select_n3A_534 = arith.select %gt3A_533, %broadcast_in_dim3A_129, %broadcast_in_dim3A_131 : vector<16xi1>, vector<16xi32>
      %add3A_535 = arith.addi %add3A_530, %select_n3A_534 : vector<16xi32>
      %gt3A_536 = arith.constant 3047.95947 : f32
      %gt3A_537 = vector.broadcast %gt3A_536 : f32 to vector<16xf32>
      %gt3A_538 = arith.cmpf ogt, %select_n3A, %gt3A_537 : vector<16xf32>
      %select_n3A_539 = arith.select %gt3A_538, %broadcast_in_dim3A_129, %broadcast_in_dim3A_131 : vector<16xi1>, vector<16xi32>
      %add3A_540 = arith.addi %add3A_535, %select_n3A_539 : vector<16xi32>
      %gt3A_541 = arith.constant 3229.20068 : f32
      %gt3A_542 = vector.broadcast %gt3A_541 : f32 to vector<16xf32>
      %gt3A_543 = arith.cmpf ogt, %select_n3A, %gt3A_542 : vector<16xf32>
      %select_n3A_544 = arith.select %gt3A_543, %broadcast_in_dim3A_129, %broadcast_in_dim3A_131 : vector<16xi1>, vector<16xi32>
      %add3A_545 = arith.addi %add3A_540, %select_n3A_544 : vector<16xi32>
      %gt3A_546 = arith.constant 3421.21875 : f32
      %gt3A_547 = vector.broadcast %gt3A_546 : f32 to vector<16xf32>
      %gt3A_548 = arith.cmpf ogt, %select_n3A, %gt3A_547 : vector<16xf32>
      %select_n3A_549 = arith.select %gt3A_548, %broadcast_in_dim3A_129, %broadcast_in_dim3A_131 : vector<16xi1>, vector<16xi32>
      %add3A_550 = arith.addi %add3A_545, %select_n3A_549 : vector<16xi32>
      %gt3A_551 = arith.constant 3624.65479 : f32
      %gt3A_552 = vector.broadcast %gt3A_551 : f32 to vector<16xf32>
      %gt3A_553 = arith.cmpf ogt, %select_n3A, %gt3A_552 : vector<16xf32>
      %select_n3A_554 = arith.select %gt3A_553, %broadcast_in_dim3A_129, %broadcast_in_dim3A_131 : vector<16xi1>, vector<16xi32>
      %add3A_555 = arith.addi %add3A_550, %select_n3A_554 : vector<16xi32>
      %gt3A_556 = arith.constant 3840.18848 : f32
      %gt3A_557 = vector.broadcast %gt3A_556 : f32 to vector<16xf32>
      %gt3A_558 = arith.cmpf ogt, %select_n3A, %gt3A_557 : vector<16xf32>
      %select_n3A_559 = arith.select %gt3A_558, %broadcast_in_dim3A_129, %broadcast_in_dim3A_131 : vector<16xi1>, vector<16xi32>
      %add3A_560 = arith.addi %add3A_555, %select_n3A_559 : vector<16xi32>
      %gt3A_561 = arith.constant 4068.53784 : f32
      %gt3A_562 = vector.broadcast %gt3A_561 : f32 to vector<16xf32>
      %gt3A_563 = arith.cmpf ogt, %select_n3A, %gt3A_562 : vector<16xf32>
      %select_n3A_564 = arith.select %gt3A_563, %broadcast_in_dim3A_129, %broadcast_in_dim3A_131 : vector<16xi1>, vector<16xi32>
      %add3A_565 = arith.addi %add3A_560, %select_n3A_564 : vector<16xi32>
      %gt3A_566 = arith.constant 4310.46533 : f32
      %gt3A_567 = vector.broadcast %gt3A_566 : f32 to vector<16xf32>
      %gt3A_568 = arith.cmpf ogt, %select_n3A, %gt3A_567 : vector<16xf32>
      %select_n3A_569 = arith.select %gt3A_568, %broadcast_in_dim3A_129, %broadcast_in_dim3A_131 : vector<16xi1>, vector<16xi32>
      %add3A_570 = arith.addi %add3A_565, %select_n3A_569 : vector<16xi32>
      %gt3A_571 = arith.constant 4566.7793 : f32
      %gt3A_572 = vector.broadcast %gt3A_571 : f32 to vector<16xf32>
      %gt3A_573 = arith.cmpf ogt, %select_n3A, %gt3A_572 : vector<16xf32>
      %select_n3A_574 = arith.select %gt3A_573, %broadcast_in_dim3A_129, %broadcast_in_dim3A_131 : vector<16xi1>, vector<16xi32>
      %add3A_575 = arith.addi %add3A_570, %select_n3A_574 : vector<16xi32>
      %gt3A_576 = arith.constant 4838.33398 : f32
      %gt3A_577 = vector.broadcast %gt3A_576 : f32 to vector<16xf32>
      %gt3A_578 = arith.cmpf ogt, %select_n3A, %gt3A_577 : vector<16xf32>
      %select_n3A_579 = arith.select %gt3A_578, %broadcast_in_dim3A_129, %broadcast_in_dim3A_131 : vector<16xi1>, vector<16xi32>
      %add3A_580 = arith.addi %add3A_575, %select_n3A_579 : vector<16xi32>
      %gt3A_581 = arith.constant 5126.03613 : f32
      %gt3A_582 = vector.broadcast %gt3A_581 : f32 to vector<16xf32>
      %gt3A_583 = arith.cmpf ogt, %select_n3A, %gt3A_582 : vector<16xf32>
      %select_n3A_584 = arith.select %gt3A_583, %broadcast_in_dim3A_129, %broadcast_in_dim3A_131 : vector<16xi1>, vector<16xi32>
      %add3A_585 = arith.addi %add3A_580, %select_n3A_584 : vector<16xi32>
      %gt3A_586 = arith.constant 5430.84619 : f32
      %gt3A_587 = vector.broadcast %gt3A_586 : f32 to vector<16xf32>
      %gt3A_588 = arith.cmpf ogt, %select_n3A, %gt3A_587 : vector<16xf32>
      %select_n3A_589 = arith.select %gt3A_588, %broadcast_in_dim3A_129, %broadcast_in_dim3A_131 : vector<16xi1>, vector<16xi32>
      %add3A_590 = arith.addi %add3A_585, %select_n3A_589 : vector<16xi32>
      %gt3A_591 = arith.constant 5753.78125 : f32
      %gt3A_592 = vector.broadcast %gt3A_591 : f32 to vector<16xf32>
      %gt3A_593 = arith.cmpf ogt, %select_n3A, %gt3A_592 : vector<16xf32>
      %select_n3A_594 = arith.select %gt3A_593, %broadcast_in_dim3A_129, %broadcast_in_dim3A_131 : vector<16xi1>, vector<16xi32>
      %add3A_595 = arith.addi %add3A_590, %select_n3A_594 : vector<16xi32>
      %gt3A_596 = arith.constant 6095.91895 : f32
      %gt3A_597 = vector.broadcast %gt3A_596 : f32 to vector<16xf32>
      %gt3A_598 = arith.cmpf ogt, %select_n3A, %gt3A_597 : vector<16xf32>
      %select_n3A_599 = arith.select %gt3A_598, %broadcast_in_dim3A_129, %broadcast_in_dim3A_131 : vector<16xi1>, vector<16xi32>
      %add3A_600 = arith.addi %add3A_595, %select_n3A_599 : vector<16xi32>
      %gt3A_601 = arith.constant 6458.40137 : f32
      %gt3A_602 = vector.broadcast %gt3A_601 : f32 to vector<16xf32>
      %gt3A_603 = arith.cmpf ogt, %select_n3A, %gt3A_602 : vector<16xf32>
      %select_n3A_604 = arith.select %gt3A_603, %broadcast_in_dim3A_129, %broadcast_in_dim3A_131 : vector<16xi1>, vector<16xi32>
      %add3A_605 = arith.addi %add3A_600, %select_n3A_604 : vector<16xi32>
      %slice3A = vector.extract_strided_slice %add3A_605 {offsets = [0], sizes = [1], strides = [1]} : vector<16xi32> to vector<1xi32>
      %squeeze3A = vector.extract %slice3A[0] : i32 from vector<1xi32>
      %mul3A_606 = arith.constant 16 : i32
      %mul3A_607 = arith.muli %scan3A_100, %mul3A_606 : i32
      %add3A_608 = arith.addi %mul3A_2, %mul3A_607 : i32
      %add3A_609 = arith.constant 0 : i32
      %add3A_610 = arith.addi %add3A_608, %add3A_609 : i32
      %dma_start3A = arith.constant 0 : i32
      %dma_start3A_611 = tpu.memref_slice %arg6[%squeeze3A, %dma_start3A] : memref<96x768xf32, #tpu.memory_space<vmem>> -> memref<1x768xf32, #tpu.memory_space<vmem>>
      %dma_start3A_612 = arith.constant 0 : i32
      %dma_start3A_613 = tpu.memref_slice %arg4[%add3A_610, %dma_start3A_612] : memref<32768x768xf32, #tpu.memory_space<hbm>> -> memref<1x768xf32, #tpu.memory_space<hbm>>
      %dma_start3A_614 = arith.constant 0 : i32
      %dma_start3A_615 = tpu.memref_slice %arg4[%add3A_610, %dma_start3A_614] : memref<32768x768xf32, #tpu.memory_space<hbm>> -> memref<1x768xf32, #tpu.memory_space<hbm>>
      %dma_start3A_616 = arith.constant 0 : i32
      %dma_start3A_617 = tpu.memref_slice %arg6[%squeeze3A, %dma_start3A_616] : memref<96x768xf32, #tpu.memory_space<vmem>> -> memref<1x768xf32, #tpu.memory_space<vmem>>
      tpu.enqueue_dma source(%dma_start3A_617 : memref<1x768xf32, #tpu.memory_space<vmem>>) target(%dma_start3A_615 : memref<1x768xf32, #tpu.memory_space<hbm>>) target_semaphore(%arg8 : memref<!tpu.dma_semaphore, #tpu.memory_space<semaphore_mem>>)
      %slice3A_618 = vector.extract_strided_slice %add3A_605 {offsets = [1], sizes = [1], strides = [1]} : vector<16xi32> to vector<1xi32>
      %squeeze3A_619 = vector.extract %slice3A_618[0] : i32 from vector<1xi32>
      %mul3A_620 = arith.constant 16 : i32
      %mul3A_621 = arith.muli %scan3A_100, %mul3A_620 : i32
      %add3A_622 = arith.addi %mul3A_2, %mul3A_621 : i32
      %add3A_623 = arith.constant 1 : i32
      %add3A_624 = arith.addi %add3A_622, %add3A_623 : i32
      %dma_start3A_625 = arith.constant 0 : i32
      %dma_start3A_626 = tpu.memref_slice %arg6[%squeeze3A_619, %dma_start3A_625] : memref<96x768xf32, #tpu.memory_space<vmem>> -> memref<1x768xf32, #tpu.memory_space<vmem>>
      %dma_start3A_627 = arith.constant 0 : i32
      %dma_start3A_628 = tpu.memref_slice %arg4[%add3A_624, %dma_start3A_627] : memref<32768x768xf32, #tpu.memory_space<hbm>> -> memref<1x768xf32, #tpu.memory_space<hbm>>
      %dma_start3A_629 = arith.constant 0 : i32
      %dma_start3A_630 = tpu.memref_slice %arg4[%add3A_624, %dma_start3A_629] : memref<32768x768xf32, #tpu.memory_space<hbm>> -> memref<1x768xf32, #tpu.memory_space<hbm>>
      %dma_start3A_631 = arith.constant 0 : i32
      %dma_start3A_632 = tpu.memref_slice %arg6[%squeeze3A_619, %dma_start3A_631] : memref<96x768xf32, #tpu.memory_space<vmem>> -> memref<1x768xf32, #tpu.memory_space<vmem>>
      tpu.enqueue_dma source(%dma_start3A_632 : memref<1x768xf32, #tpu.memory_space<vmem>>) target(%dma_start3A_630 : memref<1x768xf32, #tpu.memory_space<hbm>>) target_semaphore(%arg8 : memref<!tpu.dma_semaphore, #tpu.memory_space<semaphore_mem>>)
      %slice3A_633 = vector.extract_strided_slice %add3A_605 {offsets = [2], sizes = [1], strides = [1]} : vector<16xi32> to vector<1xi32>
      %squeeze3A_634 = vector.extract %slice3A_633[0] : i32 from vector<1xi32>
      %mul3A_635 = arith.constant 16 : i32
      %mul3A_636 = arith.muli %scan3A_100, %mul3A_635 : i32
      %add3A_637 = arith.addi %mul3A_2, %mul3A_636 : i32
      %add3A_638 = arith.constant 2 : i32
      %add3A_639 = arith.addi %add3A_637, %add3A_638 : i32
      %dma_start3A_640 = arith.constant 0 : i32
      %dma_start3A_641 = tpu.memref_slice %arg6[%squeeze3A_634, %dma_start3A_640] : memref<96x768xf32, #tpu.memory_space<vmem>> -> memref<1x768xf32, #tpu.memory_space<vmem>>
      %dma_start3A_642 = arith.constant 0 : i32
      %dma_start3A_643 = tpu.memref_slice %arg4[%add3A_639, %dma_start3A_642] : memref<32768x768xf32, #tpu.memory_space<hbm>> -> memref<1x768xf32, #tpu.memory_space<hbm>>
      %dma_start3A_644 = arith.constant 0 : i32
      %dma_start3A_645 = tpu.memref_slice %arg4[%add3A_639, %dma_start3A_644] : memref<32768x768xf32, #tpu.memory_space<hbm>> -> memref<1x768xf32, #tpu.memory_space<hbm>>
      %dma_start3A_646 = arith.constant 0 : i32
      %dma_start3A_647 = tpu.memref_slice %arg6[%squeeze3A_634, %dma_start3A_646] : memref<96x768xf32, #tpu.memory_space<vmem>> -> memref<1x768xf32, #tpu.memory_space<vmem>>
      tpu.enqueue_dma source(%dma_start3A_647 : memref<1x768xf32, #tpu.memory_space<vmem>>) target(%dma_start3A_645 : memref<1x768xf32, #tpu.memory_space<hbm>>) target_semaphore(%arg8 : memref<!tpu.dma_semaphore, #tpu.memory_space<semaphore_mem>>)
      %slice3A_648 = vector.extract_strided_slice %add3A_605 {offsets = [3], sizes = [1], strides = [1]} : vector<16xi32> to vector<1xi32>
      %squeeze3A_649 = vector.extract %slice3A_648[0] : i32 from vector<1xi32>
      %mul3A_650 = arith.constant 16 : i32
      %mul3A_651 = arith.muli %scan3A_100, %mul3A_650 : i32
      %add3A_652 = arith.addi %mul3A_2, %mul3A_651 : i32
      %add3A_653 = arith.constant 3 : i32
      %add3A_654 = arith.addi %add3A_652, %add3A_653 : i32
      %dma_start3A_655 = arith.constant 0 : i32
      %dma_start3A_656 = tpu.memref_slice %arg6[%squeeze3A_649, %dma_start3A_655] : memref<96x768xf32, #tpu.memory_space<vmem>> -> memref<1x768xf32, #tpu.memory_space<vmem>>
      %dma_start3A_657 = arith.constant 0 : i32
      %dma_start3A_658 = tpu.memref_slice %arg4[%add3A_654, %dma_start3A_657] : memref<32768x768xf32, #tpu.memory_space<hbm>> -> memref<1x768xf32, #tpu.memory_space<hbm>>
      %dma_start3A_659 = arith.constant 0 : i32
      %dma_start3A_660 = tpu.memref_slice %arg4[%add3A_654, %dma_start3A_659] : memref<32768x768xf32, #tpu.memory_space<hbm>> -> memref<1x768xf32, #tpu.memory_space<hbm>>
      %dma_start3A_661 = arith.constant 0 : i32
      %dma_start3A_662 = tpu.memref_slice %arg6[%squeeze3A_649, %dma_start3A_661] : memref<96x768xf32, #tpu.memory_space<vmem>> -> memref<1x768xf32, #tpu.memory_space<vmem>>
      tpu.enqueue_dma source(%dma_start3A_662 : memref<1x768xf32, #tpu.memory_space<vmem>>) target(%dma_start3A_660 : memref<1x768xf32, #tpu.memory_space<hbm>>) target_semaphore(%arg8 : memref<!tpu.dma_semaphore, #tpu.memory_space<semaphore_mem>>)
      %slice3A_663 = vector.extract_strided_slice %add3A_605 {offsets = [4], sizes = [1], strides = [1]} : vector<16xi32> to vector<1xi32>
      %squeeze3A_664 = vector.extract %slice3A_663[0] : i32 from vector<1xi32>
      %mul3A_665 = arith.constant 16 : i32
      %mul3A_666 = arith.muli %scan3A_100, %mul3A_665 : i32
      %add3A_667 = arith.addi %mul3A_2, %mul3A_666 : i32
      %add3A_668 = arith.constant 4 : i32
      %add3A_669 = arith.addi %add3A_667, %add3A_668 : i32
      %dma_start3A_670 = arith.constant 0 : i32
      %dma_start3A_671 = tpu.memref_slice %arg6[%squeeze3A_664, %dma_start3A_670] : memref<96x768xf32, #tpu.memory_space<vmem>> -> memref<1x768xf32, #tpu.memory_space<vmem>>
      %dma_start3A_672 = arith.constant 0 : i32
      %dma_start3A_673 = tpu.memref_slice %arg4[%add3A_669, %dma_start3A_672] : memref<32768x768xf32, #tpu.memory_space<hbm>> -> memref<1x768xf32, #tpu.memory_space<hbm>>
      %dma_start3A_674 = arith.constant 0 : i32
      %dma_start3A_675 = tpu.memref_slice %arg4[%add3A_669, %dma_start3A_674] : memref<32768x768xf32, #tpu.memory_space<hbm>> -> memref<1x768xf32, #tpu.memory_space<hbm>>
      %dma_start3A_676 = arith.constant 0 : i32
      %dma_start3A_677 = tpu.memref_slice %arg6[%squeeze3A_664, %dma_start3A_676] : memref<96x768xf32, #tpu.memory_space<vmem>> -> memref<1x768xf32, #tpu.memory_space<vmem>>
      tpu.enqueue_dma source(%dma_start3A_677 : memref<1x768xf32, #tpu.memory_space<vmem>>) target(%dma_start3A_675 : memref<1x768xf32, #tpu.memory_space<hbm>>) target_semaphore(%arg8 : memref<!tpu.dma_semaphore, #tpu.memory_space<semaphore_mem>>)
      %slice3A_678 = vector.extract_strided_slice %add3A_605 {offsets = [5], sizes = [1], strides = [1]} : vector<16xi32> to vector<1xi32>
      %squeeze3A_679 = vector.extract %slice3A_678[0] : i32 from vector<1xi32>
      %mul3A_680 = arith.constant 16 : i32
      %mul3A_681 = arith.muli %scan3A_100, %mul3A_680 : i32
      %add3A_682 = arith.addi %mul3A_2, %mul3A_681 : i32
      %add3A_683 = arith.constant 5 : i32
      %add3A_684 = arith.addi %add3A_682, %add3A_683 : i32
      %dma_start3A_685 = arith.constant 0 : i32
      %dma_start3A_686 = tpu.memref_slice %arg6[%squeeze3A_679, %dma_start3A_685] : memref<96x768xf32, #tpu.memory_space<vmem>> -> memref<1x768xf32, #tpu.memory_space<vmem>>
      %dma_start3A_687 = arith.constant 0 : i32
      %dma_start3A_688 = tpu.memref_slice %arg4[%add3A_684, %dma_start3A_687] : memref<32768x768xf32, #tpu.memory_space<hbm>> -> memref<1x768xf32, #tpu.memory_space<hbm>>
      %dma_start3A_689 = arith.constant 0 : i32
      %dma_start3A_690 = tpu.memref_slice %arg4[%add3A_684, %dma_start3A_689] : memref<32768x768xf32, #tpu.memory_space<hbm>> -> memref<1x768xf32, #tpu.memory_space<hbm>>
      %dma_start3A_691 = arith.constant 0 : i32
      %dma_start3A_692 = tpu.memref_slice %arg6[%squeeze3A_679, %dma_start3A_691] : memref<96x768xf32, #tpu.memory_space<vmem>> -> memref<1x768xf32, #tpu.memory_space<vmem>>
      tpu.enqueue_dma source(%dma_start3A_692 : memref<1x768xf32, #tpu.memory_space<vmem>>) target(%dma_start3A_690 : memref<1x768xf32, #tpu.memory_space<hbm>>) target_semaphore(%arg8 : memref<!tpu.dma_semaphore, #tpu.memory_space<semaphore_mem>>)
      %slice3A_693 = vector.extract_strided_slice %add3A_605 {offsets = [6], sizes = [1], strides = [1]} : vector<16xi32> to vector<1xi32>
      %squeeze3A_694 = vector.extract %slice3A_693[0] : i32 from vector<1xi32>
      %mul3A_695 = arith.constant 16 : i32
      %mul3A_696 = arith.muli %scan3A_100, %mul3A_695 : i32
      %add3A_697 = arith.addi %mul3A_2, %mul3A_696 : i32
      %add3A_698 = arith.constant 6 : i32
      %add3A_699 = arith.addi %add3A_697, %add3A_698 : i32
      %dma_start3A_700 = arith.constant 0 : i32
      %dma_start3A_701 = tpu.memref_slice %arg6[%squeeze3A_694, %dma_start3A_700] : memref<96x768xf32, #tpu.memory_space<vmem>> -> memref<1x768xf32, #tpu.memory_space<vmem>>
      %dma_start3A_702 = arith.constant 0 : i32
      %dma_start3A_703 = tpu.memref_slice %arg4[%add3A_699, %dma_start3A_702] : memref<32768x768xf32, #tpu.memory_space<hbm>> -> memref<1x768xf32, #tpu.memory_space<hbm>>
      %dma_start3A_704 = arith.constant 0 : i32
      %dma_start3A_705 = tpu.memref_slice %arg4[%add3A_699, %dma_start3A_704] : memref<32768x768xf32, #tpu.memory_space<hbm>> -> memref<1x768xf32, #tpu.memory_space<hbm>>
      %dma_start3A_706 = arith.constant 0 : i32
      %dma_start3A_707 = tpu.memref_slice %arg6[%squeeze3A_694, %dma_start3A_706] : memref<96x768xf32, #tpu.memory_space<vmem>> -> memref<1x768xf32, #tpu.memory_space<vmem>>
      tpu.enqueue_dma source(%dma_start3A_707 : memref<1x768xf32, #tpu.memory_space<vmem>>) target(%dma_start3A_705 : memref<1x768xf32, #tpu.memory_space<hbm>>) target_semaphore(%arg8 : memref<!tpu.dma_semaphore, #tpu.memory_space<semaphore_mem>>)
      %slice3A_708 = vector.extract_strided_slice %add3A_605 {offsets = [7], sizes = [1], strides = [1]} : vector<16xi32> to vector<1xi32>
      %squeeze3A_709 = vector.extract %slice3A_708[0] : i32 from vector<1xi32>
      %mul3A_710 = arith.constant 16 : i32
      %mul3A_711 = arith.muli %scan3A_100, %mul3A_710 : i32
      %add3A_712 = arith.addi %mul3A_2, %mul3A_711 : i32
      %add3A_713 = arith.constant 7 : i32
      %add3A_714 = arith.addi %add3A_712, %add3A_713 : i32
      %dma_start3A_715 = arith.constant 0 : i32
      %dma_start3A_716 = tpu.memref_slice %arg6[%squeeze3A_709, %dma_start3A_715] : memref<96x768xf32, #tpu.memory_space<vmem>> -> memref<1x768xf32, #tpu.memory_space<vmem>>
      %dma_start3A_717 = arith.constant 0 : i32
      %dma_start3A_718 = tpu.memref_slice %arg4[%add3A_714, %dma_start3A_717] : memref<32768x768xf32, #tpu.memory_space<hbm>> -> memref<1x768xf32, #tpu.memory_space<hbm>>
      %dma_start3A_719 = arith.constant 0 : i32
      %dma_start3A_720 = tpu.memref_slice %arg4[%add3A_714, %dma_start3A_719] : memref<32768x768xf32, #tpu.memory_space<hbm>> -> memref<1x768xf32, #tpu.memory_space<hbm>>
      %dma_start3A_721 = arith.constant 0 : i32
      %dma_start3A_722 = tpu.memref_slice %arg6[%squeeze3A_709, %dma_start3A_721] : memref<96x768xf32, #tpu.memory_space<vmem>> -> memref<1x768xf32, #tpu.memory_space<vmem>>
      tpu.enqueue_dma source(%dma_start3A_722 : memref<1x768xf32, #tpu.memory_space<vmem>>) target(%dma_start3A_720 : memref<1x768xf32, #tpu.memory_space<hbm>>) target_semaphore(%arg8 : memref<!tpu.dma_semaphore, #tpu.memory_space<semaphore_mem>>)
      %slice3A_723 = vector.extract_strided_slice %add3A_605 {offsets = [8], sizes = [1], strides = [1]} : vector<16xi32> to vector<1xi32>
      %squeeze3A_724 = vector.extract %slice3A_723[0] : i32 from vector<1xi32>
      %mul3A_725 = arith.constant 16 : i32
      %mul3A_726 = arith.muli %scan3A_100, %mul3A_725 : i32
      %add3A_727 = arith.addi %mul3A_2, %mul3A_726 : i32
      %add3A_728 = arith.constant 8 : i32
      %add3A_729 = arith.addi %add3A_727, %add3A_728 : i32
      %dma_start3A_730 = arith.constant 0 : i32
      %dma_start3A_731 = tpu.memref_slice %arg6[%squeeze3A_724, %dma_start3A_730] : memref<96x768xf32, #tpu.memory_space<vmem>> -> memref<1x768xf32, #tpu.memory_space<vmem>>
      %dma_start3A_732 = arith.constant 0 : i32
      %dma_start3A_733 = tpu.memref_slice %arg4[%add3A_729, %dma_start3A_732] : memref<32768x768xf32, #tpu.memory_space<hbm>> -> memref<1x768xf32, #tpu.memory_space<hbm>>
      %dma_start3A_734 = arith.constant 0 : i32
      %dma_start3A_735 = tpu.memref_slice %arg4[%add3A_729, %dma_start3A_734] : memref<32768x768xf32, #tpu.memory_space<hbm>> -> memref<1x768xf32, #tpu.memory_space<hbm>>
      %dma_start3A_736 = arith.constant 0 : i32
      %dma_start3A_737 = tpu.memref_slice %arg6[%squeeze3A_724, %dma_start3A_736] : memref<96x768xf32, #tpu.memory_space<vmem>> -> memref<1x768xf32, #tpu.memory_space<vmem>>
      tpu.enqueue_dma source(%dma_start3A_737 : memref<1x768xf32, #tpu.memory_space<vmem>>) target(%dma_start3A_735 : memref<1x768xf32, #tpu.memory_space<hbm>>) target_semaphore(%arg8 : memref<!tpu.dma_semaphore, #tpu.memory_space<semaphore_mem>>)
      %slice3A_738 = vector.extract_strided_slice %add3A_605 {offsets = [9], sizes = [1], strides = [1]} : vector<16xi32> to vector<1xi32>
      %squeeze3A_739 = vector.extract %slice3A_738[0] : i32 from vector<1xi32>
      %mul3A_740 = arith.constant 16 : i32
      %mul3A_741 = arith.muli %scan3A_100, %mul3A_740 : i32
      %add3A_742 = arith.addi %mul3A_2, %mul3A_741 : i32
      %add3A_743 = arith.constant 9 : i32
      %add3A_744 = arith.addi %add3A_742, %add3A_743 : i32
      %dma_start3A_745 = arith.constant 0 : i32
      %dma_start3A_746 = tpu.memref_slice %arg6[%squeeze3A_739, %dma_start3A_745] : memref<96x768xf32, #tpu.memory_space<vmem>> -> memref<1x768xf32, #tpu.memory_space<vmem>>
      %dma_start3A_747 = arith.constant 0 : i32
      %dma_start3A_748 = tpu.memref_slice %arg4[%add3A_744, %dma_start3A_747] : memref<32768x768xf32, #tpu.memory_space<hbm>> -> memref<1x768xf32, #tpu.memory_space<hbm>>
      %dma_start3A_749 = arith.constant 0 : i32
      %dma_start3A_750 = tpu.memref_slice %arg4[%add3A_744, %dma_start3A_749] : memref<32768x768xf32, #tpu.memory_space<hbm>> -> memref<1x768xf32, #tpu.memory_space<hbm>>
      %dma_start3A_751 = arith.constant 0 : i32
      %dma_start3A_752 = tpu.memref_slice %arg6[%squeeze3A_739, %dma_start3A_751] : memref<96x768xf32, #tpu.memory_space<vmem>> -> memref<1x768xf32, #tpu.memory_space<vmem>>
      tpu.enqueue_dma source(%dma_start3A_752 : memref<1x768xf32, #tpu.memory_space<vmem>>) target(%dma_start3A_750 : memref<1x768xf32, #tpu.memory_space<hbm>>) target_semaphore(%arg8 : memref<!tpu.dma_semaphore, #tpu.memory_space<semaphore_mem>>)
      %slice3A_753 = vector.extract_strided_slice %add3A_605 {offsets = [10], sizes = [1], strides = [1]} : vector<16xi32> to vector<1xi32>
      %squeeze3A_754 = vector.extract %slice3A_753[0] : i32 from vector<1xi32>
      %mul3A_755 = arith.constant 16 : i32
      %mul3A_756 = arith.muli %scan3A_100, %mul3A_755 : i32
      %add3A_757 = arith.addi %mul3A_2, %mul3A_756 : i32
      %add3A_758 = arith.constant 10 : i32
      %add3A_759 = arith.addi %add3A_757, %add3A_758 : i32
      %dma_start3A_760 = arith.constant 0 : i32
      %dma_start3A_761 = tpu.memref_slice %arg6[%squeeze3A_754, %dma_start3A_760] : memref<96x768xf32, #tpu.memory_space<vmem>> -> memref<1x768xf32, #tpu.memory_space<vmem>>
      %dma_start3A_762 = arith.constant 0 : i32
      %dma_start3A_763 = tpu.memref_slice %arg4[%add3A_759, %dma_start3A_762] : memref<32768x768xf32, #tpu.memory_space<hbm>> -> memref<1x768xf32, #tpu.memory_space<hbm>>
      %dma_start3A_764 = arith.constant 0 : i32
      %dma_start3A_765 = tpu.memref_slice %arg4[%add3A_759, %dma_start3A_764] : memref<32768x768xf32, #tpu.memory_space<hbm>> -> memref<1x768xf32, #tpu.memory_space<hbm>>
      %dma_start3A_766 = arith.constant 0 : i32
      %dma_start3A_767 = tpu.memref_slice %arg6[%squeeze3A_754, %dma_start3A_766] : memref<96x768xf32, #tpu.memory_space<vmem>> -> memref<1x768xf32, #tpu.memory_space<vmem>>
      tpu.enqueue_dma source(%dma_start3A_767 : memref<1x768xf32, #tpu.memory_space<vmem>>) target(%dma_start3A_765 : memref<1x768xf32, #tpu.memory_space<hbm>>) target_semaphore(%arg8 : memref<!tpu.dma_semaphore, #tpu.memory_space<semaphore_mem>>)
      %slice3A_768 = vector.extract_strided_slice %add3A_605 {offsets = [11], sizes = [1], strides = [1]} : vector<16xi32> to vector<1xi32>
      %squeeze3A_769 = vector.extract %slice3A_768[0] : i32 from vector<1xi32>
      %mul3A_770 = arith.constant 16 : i32
      %mul3A_771 = arith.muli %scan3A_100, %mul3A_770 : i32
      %add3A_772 = arith.addi %mul3A_2, %mul3A_771 : i32
      %add3A_773 = arith.constant 11 : i32
      %add3A_774 = arith.addi %add3A_772, %add3A_773 : i32
      %dma_start3A_775 = arith.constant 0 : i32
      %dma_start3A_776 = tpu.memref_slice %arg6[%squeeze3A_769, %dma_start3A_775] : memref<96x768xf32, #tpu.memory_space<vmem>> -> memref<1x768xf32, #tpu.memory_space<vmem>>
      %dma_start3A_777 = arith.constant 0 : i32
      %dma_start3A_778 = tpu.memref_slice %arg4[%add3A_774, %dma_start3A_777] : memref<32768x768xf32, #tpu.memory_space<hbm>> -> memref<1x768xf32, #tpu.memory_space<hbm>>
      %dma_start3A_779 = arith.constant 0 : i32
      %dma_start3A_780 = tpu.memref_slice %arg4[%add3A_774, %dma_start3A_779] : memref<32768x768xf32, #tpu.memory_space<hbm>> -> memref<1x768xf32, #tpu.memory_space<hbm>>
      %dma_start3A_781 = arith.constant 0 : i32
      %dma_start3A_782 = tpu.memref_slice %arg6[%squeeze3A_769, %dma_start3A_781] : memref<96x768xf32, #tpu.memory_space<vmem>> -> memref<1x768xf32, #tpu.memory_space<vmem>>
      tpu.enqueue_dma source(%dma_start3A_782 : memref<1x768xf32, #tpu.memory_space<vmem>>) target(%dma_start3A_780 : memref<1x768xf32, #tpu.memory_space<hbm>>) target_semaphore(%arg8 : memref<!tpu.dma_semaphore, #tpu.memory_space<semaphore_mem>>)
      %slice3A_783 = vector.extract_strided_slice %add3A_605 {offsets = [12], sizes = [1], strides = [1]} : vector<16xi32> to vector<1xi32>
      %squeeze3A_784 = vector.extract %slice3A_783[0] : i32 from vector<1xi32>
      %mul3A_785 = arith.constant 16 : i32
      %mul3A_786 = arith.muli %scan3A_100, %mul3A_785 : i32
      %add3A_787 = arith.addi %mul3A_2, %mul3A_786 : i32
      %add3A_788 = arith.constant 12 : i32
      %add3A_789 = arith.addi %add3A_787, %add3A_788 : i32
      %dma_start3A_790 = arith.constant 0 : i32
      %dma_start3A_791 = tpu.memref_slice %arg6[%squeeze3A_784, %dma_start3A_790] : memref<96x768xf32, #tpu.memory_space<vmem>> -> memref<1x768xf32, #tpu.memory_space<vmem>>
      %dma_start3A_792 = arith.constant 0 : i32
      %dma_start3A_793 = tpu.memref_slice %arg4[%add3A_789, %dma_start3A_792] : memref<32768x768xf32, #tpu.memory_space<hbm>> -> memref<1x768xf32, #tpu.memory_space<hbm>>
      %dma_start3A_794 = arith.constant 0 : i32
      %dma_start3A_795 = tpu.memref_slice %arg4[%add3A_789, %dma_start3A_794] : memref<32768x768xf32, #tpu.memory_space<hbm>> -> memref<1x768xf32, #tpu.memory_space<hbm>>
      %dma_start3A_796 = arith.constant 0 : i32
      %dma_start3A_797 = tpu.memref_slice %arg6[%squeeze3A_784, %dma_start3A_796] : memref<96x768xf32, #tpu.memory_space<vmem>> -> memref<1x768xf32, #tpu.memory_space<vmem>>
      tpu.enqueue_dma source(%dma_start3A_797 : memref<1x768xf32, #tpu.memory_space<vmem>>) target(%dma_start3A_795 : memref<1x768xf32, #tpu.memory_space<hbm>>) target_semaphore(%arg8 : memref<!tpu.dma_semaphore, #tpu.memory_space<semaphore_mem>>)
      %slice3A_798 = vector.extract_strided_slice %add3A_605 {offsets = [13], sizes = [1], strides = [1]} : vector<16xi32> to vector<1xi32>
      %squeeze3A_799 = vector.extract %slice3A_798[0] : i32 from vector<1xi32>
      %mul3A_800 = arith.constant 16 : i32
      %mul3A_801 = arith.muli %scan3A_100, %mul3A_800 : i32
      %add3A_802 = arith.addi %mul3A_2, %mul3A_801 : i32
      %add3A_803 = arith.constant 13 : i32
      %add3A_804 = arith.addi %add3A_802, %add3A_803 : i32
      %dma_start3A_805 = arith.constant 0 : i32
      %dma_start3A_806 = tpu.memref_slice %arg6[%squeeze3A_799, %dma_start3A_805] : memref<96x768xf32, #tpu.memory_space<vmem>> -> memref<1x768xf32, #tpu.memory_space<vmem>>
      %dma_start3A_807 = arith.constant 0 : i32
      %dma_start3A_808 = tpu.memref_slice %arg4[%add3A_804, %dma_start3A_807] : memref<32768x768xf32, #tpu.memory_space<hbm>> -> memref<1x768xf32, #tpu.memory_space<hbm>>
      %dma_start3A_809 = arith.constant 0 : i32
      %dma_start3A_810 = tpu.memref_slice %arg4[%add3A_804, %dma_start3A_809] : memref<32768x768xf32, #tpu.memory_space<hbm>> -> memref<1x768xf32, #tpu.memory_space<hbm>>
      %dma_start3A_811 = arith.constant 0 : i32
      %dma_start3A_812 = tpu.memref_slice %arg6[%squeeze3A_799, %dma_start3A_811] : memref<96x768xf32, #tpu.memory_space<vmem>> -> memref<1x768xf32, #tpu.memory_space<vmem>>
      tpu.enqueue_dma source(%dma_start3A_812 : memref<1x768xf32, #tpu.memory_space<vmem>>) target(%dma_start3A_810 : memref<1x768xf32, #tpu.memory_space<hbm>>) target_semaphore(%arg8 : memref<!tpu.dma_semaphore, #tpu.memory_space<semaphore_mem>>)
      %slice3A_813 = vector.extract_strided_slice %add3A_605 {offsets = [14], sizes = [1], strides = [1]} : vector<16xi32> to vector<1xi32>
      %squeeze3A_814 = vector.extract %slice3A_813[0] : i32 from vector<1xi32>
      %mul3A_815 = arith.constant 16 : i32
      %mul3A_816 = arith.muli %scan3A_100, %mul3A_815 : i32
      %add3A_817 = arith.addi %mul3A_2, %mul3A_816 : i32
      %add3A_818 = arith.constant 14 : i32
      %add3A_819 = arith.addi %add3A_817, %add3A_818 : i32
      %dma_start3A_820 = arith.constant 0 : i32
      %dma_start3A_821 = tpu.memref_slice %arg6[%squeeze3A_814, %dma_start3A_820] : memref<96x768xf32, #tpu.memory_space<vmem>> -> memref<1x768xf32, #tpu.memory_space<vmem>>
      %dma_start3A_822 = arith.constant 0 : i32
      %dma_start3A_823 = tpu.memref_slice %arg4[%add3A_819, %dma_start3A_822] : memref<32768x768xf32, #tpu.memory_space<hbm>> -> memref<1x768xf32, #tpu.memory_space<hbm>>
      %dma_start3A_824 = arith.constant 0 : i32
      %dma_start3A_825 = tpu.memref_slice %arg4[%add3A_819, %dma_start3A_824] : memref<32768x768xf32, #tpu.memory_space<hbm>> -> memref<1x768xf32, #tpu.memory_space<hbm>>
      %dma_start3A_826 = arith.constant 0 : i32
      %dma_start3A_827 = tpu.memref_slice %arg6[%squeeze3A_814, %dma_start3A_826] : memref<96x768xf32, #tpu.memory_space<vmem>> -> memref<1x768xf32, #tpu.memory_space<vmem>>
      tpu.enqueue_dma source(%dma_start3A_827 : memref<1x768xf32, #tpu.memory_space<vmem>>) target(%dma_start3A_825 : memref<1x768xf32, #tpu.memory_space<hbm>>) target_semaphore(%arg8 : memref<!tpu.dma_semaphore, #tpu.memory_space<semaphore_mem>>)
      %slice3A_828 = vector.extract_strided_slice %add3A_605 {offsets = [15], sizes = [1], strides = [1]} : vector<16xi32> to vector<1xi32>
      %squeeze3A_829 = vector.extract %slice3A_828[0] : i32 from vector<1xi32>
      %mul3A_830 = arith.constant 16 : i32
      %mul3A_831 = arith.muli %scan3A_100, %mul3A_830 : i32
      %add3A_832 = arith.addi %mul3A_2, %mul3A_831 : i32
      %add3A_833 = arith.constant 15 : i32
      %add3A_834 = arith.addi %add3A_832, %add3A_833 : i32
      %dma_start3A_835 = arith.constant 0 : i32
      %dma_start3A_836 = tpu.memref_slice %arg6[%squeeze3A_829, %dma_start3A_835] : memref<96x768xf32, #tpu.memory_space<vmem>> -> memref<1x768xf32, #tpu.memory_space<vmem>>
      %dma_start3A_837 = arith.constant 0 : i32
      %dma_start3A_838 = tpu.memref_slice %arg4[%add3A_834, %dma_start3A_837] : memref<32768x768xf32, #tpu.memory_space<hbm>> -> memref<1x768xf32, #tpu.memory_space<hbm>>
      %dma_start3A_839 = arith.constant 0 : i32
      %dma_start3A_840 = tpu.memref_slice %arg4[%add3A_834, %dma_start3A_839] : memref<32768x768xf32, #tpu.memory_space<hbm>> -> memref<1x768xf32, #tpu.memory_space<hbm>>
      %dma_start3A_841 = arith.constant 0 : i32
      %dma_start3A_842 = tpu.memref_slice %arg6[%squeeze3A_829, %dma_start3A_841] : memref<96x768xf32, #tpu.memory_space<vmem>> -> memref<1x768xf32, #tpu.memory_space<vmem>>
      tpu.enqueue_dma source(%dma_start3A_842 : memref<1x768xf32, #tpu.memory_space<vmem>>) target(%dma_start3A_840 : memref<1x768xf32, #tpu.memory_space<hbm>>) target_semaphore(%arg8 : memref<!tpu.dma_semaphore, #tpu.memory_space<semaphore_mem>>)
      %ge3A = arith.constant 8 : i32
      %ge3A_843 = arith.cmpi sge, %scan3A_100, %ge3A : i32
      %convert_element_type3A_844 = arith.extui %ge3A_843 : i1 to i32
      %cond3A_845 = arith.constant 0 : i32
      %cond3A_846 = arith.cmpi ne, %convert_element_type3A_844, %cond3A_845 : i32
      scf.if %cond3A_846 {
        %dma_wait3A_847 = arith.constant 0 : i32
        %dma_wait3A_848 = arith.constant 0 : i32
        %dma_wait3A_849 = tpu.memref_slice %arg6[%dma_wait3A_847, %dma_wait3A_848] : memref<96x768xf32, #tpu.memory_space<vmem>> -> memref<16x768xf32, #tpu.memory_space<vmem>>
        %dma_wait3A_850 = arith.constant 0 : i32
        %dma_wait3A_851 = tpu.memref_slice %arg4[%mul3A_2, %dma_wait3A_850] : memref<32768x768xf32, #tpu.memory_space<hbm>> -> memref<16x768xf32, #tpu.memory_space<hbm>>
        %dma_wait3A_852 = arith.constant 0 : i32
        %dma_wait3A_853 = tpu.memref_slice %arg4[%mul3A_2, %dma_wait3A_852] : memref<32768x768xf32, #tpu.memory_space<hbm>> -> memref<16x768xf32, #tpu.memory_space<hbm>>
        %dma_wait3A_854 = arith.constant 0 : i32
        %dma_wait3A_855 = arith.constant 0 : i32
        %dma_wait3A_856 = tpu.memref_slice %arg6[%dma_wait3A_854, %dma_wait3A_855] : memref<96x768xf32, #tpu.memory_space<vmem>> -> memref<16x768xf32, #tpu.memory_space<vmem>>
        tpu.wait_dma2 semaphore(%arg8 : memref<!tpu.dma_semaphore, #tpu.memory_space<semaphore_mem>>) src(%dma_wait3A_856 : memref<16x768xf32, #tpu.memory_space<vmem>>) dst(%dma_wait3A_853 : memref<16x768xf32, #tpu.memory_space<hbm>>)
      } else {
      }
    }
    %scan3A_20 = arith.constant 64 : i32
    %dma_wait3A = arith.constant 0 : i32
    %dma_wait3A_21 = arith.constant 0 : i32
    %dma_wait3A_22 = tpu.memref_slice %arg6[%dma_wait3A, %dma_wait3A_21] : memref<96x768xf32, #tpu.memory_space<vmem>> -> memref<16x768xf32, #tpu.memory_space<vmem>>
    %dma_wait3A_23 = arith.constant 0 : i32
    %dma_wait3A_24 = tpu.memref_slice %arg4[%mul3A_2, %dma_wait3A_23] : memref<32768x768xf32, #tpu.memory_space<hbm>> -> memref<16x768xf32, #tpu.memory_space<hbm>>
    %dma_wait3A_25 = arith.constant 0 : i32
    %dma_wait3A_26 = tpu.memref_slice %arg4[%mul3A_2, %dma_wait3A_25] : memref<32768x768xf32, #tpu.memory_space<hbm>> -> memref<16x768xf32, #tpu.memory_space<hbm>>
    %dma_wait3A_27 = arith.constant 0 : i32
    %dma_wait3A_28 = arith.constant 0 : i32
    %dma_wait3A_29 = tpu.memref_slice %arg6[%dma_wait3A_27, %dma_wait3A_28] : memref<96x768xf32, #tpu.memory_space<vmem>> -> memref<16x768xf32, #tpu.memory_space<vmem>>
    tpu.wait_dma2 semaphore(%arg8 : memref<!tpu.dma_semaphore, #tpu.memory_space<semaphore_mem>>) src(%dma_wait3A_29 : memref<16x768xf32, #tpu.memory_space<vmem>>) dst(%dma_wait3A_26 : memref<16x768xf32, #tpu.memory_space<hbm>>)
    %dma_wait3A_30 = arith.constant 0 : i32
    %dma_wait3A_31 = arith.constant 0 : i32
    %dma_wait3A_32 = tpu.memref_slice %arg6[%dma_wait3A_30, %dma_wait3A_31] : memref<96x768xf32, #tpu.memory_space<vmem>> -> memref<16x768xf32, #tpu.memory_space<vmem>>
    %dma_wait3A_33 = arith.constant 0 : i32
    %dma_wait3A_34 = tpu.memref_slice %arg4[%mul3A_2, %dma_wait3A_33] : memref<32768x768xf32, #tpu.memory_space<hbm>> -> memref<16x768xf32, #tpu.memory_space<hbm>>
    %dma_wait3A_35 = arith.constant 0 : i32
    %dma_wait3A_36 = tpu.memref_slice %arg4[%mul3A_2, %dma_wait3A_35] : memref<32768x768xf32, #tpu.memory_space<hbm>> -> memref<16x768xf32, #tpu.memory_space<hbm>>
    %dma_wait3A_37 = arith.constant 0 : i32
    %dma_wait3A_38 = arith.constant 0 : i32
    %dma_wait3A_39 = tpu.memref_slice %arg6[%dma_wait3A_37, %dma_wait3A_38] : memref<96x768xf32, #tpu.memory_space<vmem>> -> memref<16x768xf32, #tpu.memory_space<vmem>>
    tpu.wait_dma2 semaphore(%arg8 : memref<!tpu.dma_semaphore, #tpu.memory_space<semaphore_mem>>) src(%dma_wait3A_39 : memref<16x768xf32, #tpu.memory_space<vmem>>) dst(%dma_wait3A_36 : memref<16x768xf32, #tpu.memory_space<hbm>>)
    %dma_wait3A_40 = arith.constant 0 : i32
    %dma_wait3A_41 = arith.constant 0 : i32
    %dma_wait3A_42 = tpu.memref_slice %arg6[%dma_wait3A_40, %dma_wait3A_41] : memref<96x768xf32, #tpu.memory_space<vmem>> -> memref<16x768xf32, #tpu.memory_space<vmem>>
    %dma_wait3A_43 = arith.constant 0 : i32
    %dma_wait3A_44 = tpu.memref_slice %arg4[%mul3A_2, %dma_wait3A_43] : memref<32768x768xf32, #tpu.memory_space<hbm>> -> memref<16x768xf32, #tpu.memory_space<hbm>>
    %dma_wait3A_45 = arith.constant 0 : i32
    %dma_wait3A_46 = tpu.memref_slice %arg4[%mul3A_2, %dma_wait3A_45] : memref<32768x768xf32, #tpu.memory_space<hbm>> -> memref<16x768xf32, #tpu.memory_space<hbm>>
    %dma_wait3A_47 = arith.constant 0 : i32
    %dma_wait3A_48 = arith.constant 0 : i32
    %dma_wait3A_49 = tpu.memref_slice %arg6[%dma_wait3A_47, %dma_wait3A_48] : memref<96x768xf32, #tpu.memory_space<vmem>> -> memref<16x768xf32, #tpu.memory_space<vmem>>
    tpu.wait_dma2 semaphore(%arg8 : memref<!tpu.dma_semaphore, #tpu.memory_space<semaphore_mem>>) src(%dma_wait3A_49 : memref<16x768xf32, #tpu.memory_space<vmem>>) dst(%dma_wait3A_46 : memref<16x768xf32, #tpu.memory_space<hbm>>)
    %dma_wait3A_50 = arith.constant 0 : i32
    %dma_wait3A_51 = arith.constant 0 : i32
    %dma_wait3A_52 = tpu.memref_slice %arg6[%dma_wait3A_50, %dma_wait3A_51] : memref<96x768xf32, #tpu.memory_space<vmem>> -> memref<16x768xf32, #tpu.memory_space<vmem>>
    %dma_wait3A_53 = arith.constant 0 : i32
    %dma_wait3A_54 = tpu.memref_slice %arg4[%mul3A_2, %dma_wait3A_53] : memref<32768x768xf32, #tpu.memory_space<hbm>> -> memref<16x768xf32, #tpu.memory_space<hbm>>
    %dma_wait3A_55 = arith.constant 0 : i32
    %dma_wait3A_56 = tpu.memref_slice %arg4[%mul3A_2, %dma_wait3A_55] : memref<32768x768xf32, #tpu.memory_space<hbm>> -> memref<16x768xf32, #tpu.memory_space<hbm>>
    %dma_wait3A_57 = arith.constant 0 : i32
    %dma_wait3A_58 = arith.constant 0 : i32
    %dma_wait3A_59 = tpu.memref_slice %arg6[%dma_wait3A_57, %dma_wait3A_58] : memref<96x768xf32, #tpu.memory_space<vmem>> -> memref<16x768xf32, #tpu.memory_space<vmem>>
    tpu.wait_dma2 semaphore(%arg8 : memref<!tpu.dma_semaphore, #tpu.memory_space<semaphore_mem>>) src(%dma_wait3A_59 : memref<16x768xf32, #tpu.memory_space<vmem>>) dst(%dma_wait3A_56 : memref<16x768xf32, #tpu.memory_space<hbm>>)
    %dma_wait3A_60 = arith.constant 0 : i32
    %dma_wait3A_61 = arith.constant 0 : i32
    %dma_wait3A_62 = tpu.memref_slice %arg6[%dma_wait3A_60, %dma_wait3A_61] : memref<96x768xf32, #tpu.memory_space<vmem>> -> memref<16x768xf32, #tpu.memory_space<vmem>>
    %dma_wait3A_63 = arith.constant 0 : i32
    %dma_wait3A_64 = tpu.memref_slice %arg4[%mul3A_2, %dma_wait3A_63] : memref<32768x768xf32, #tpu.memory_space<hbm>> -> memref<16x768xf32, #tpu.memory_space<hbm>>
    %dma_wait3A_65 = arith.constant 0 : i32
    %dma_wait3A_66 = tpu.memref_slice %arg4[%mul3A_2, %dma_wait3A_65] : memref<32768x768xf32, #tpu.memory_space<hbm>> -> memref<16x768xf32, #tpu.memory_space<hbm>>
    %dma_wait3A_67 = arith.constant 0 : i32
    %dma_wait3A_68 = arith.constant 0 : i32
    %dma_wait3A_69 = tpu.memref_slice %arg6[%dma_wait3A_67, %dma_wait3A_68] : memref<96x768xf32, #tpu.memory_space<vmem>> -> memref<16x768xf32, #tpu.memory_space<vmem>>
    tpu.wait_dma2 semaphore(%arg8 : memref<!tpu.dma_semaphore, #tpu.memory_space<semaphore_mem>>) src(%dma_wait3A_69 : memref<16x768xf32, #tpu.memory_space<vmem>>) dst(%dma_wait3A_66 : memref<16x768xf32, #tpu.memory_space<hbm>>)
    %dma_wait3A_70 = arith.constant 0 : i32
    %dma_wait3A_71 = arith.constant 0 : i32
    %dma_wait3A_72 = tpu.memref_slice %arg6[%dma_wait3A_70, %dma_wait3A_71] : memref<96x768xf32, #tpu.memory_space<vmem>> -> memref<16x768xf32, #tpu.memory_space<vmem>>
    %dma_wait3A_73 = arith.constant 0 : i32
    %dma_wait3A_74 = tpu.memref_slice %arg4[%mul3A_2, %dma_wait3A_73] : memref<32768x768xf32, #tpu.memory_space<hbm>> -> memref<16x768xf32, #tpu.memory_space<hbm>>
    %dma_wait3A_75 = arith.constant 0 : i32
    %dma_wait3A_76 = tpu.memref_slice %arg4[%mul3A_2, %dma_wait3A_75] : memref<32768x768xf32, #tpu.memory_space<hbm>> -> memref<16x768xf32, #tpu.memory_space<hbm>>
    %dma_wait3A_77 = arith.constant 0 : i32
    %dma_wait3A_78 = arith.constant 0 : i32
    %dma_wait3A_79 = tpu.memref_slice %arg6[%dma_wait3A_77, %dma_wait3A_78] : memref<96x768xf32, #tpu.memory_space<vmem>> -> memref<16x768xf32, #tpu.memory_space<vmem>>
    tpu.wait_dma2 semaphore(%arg8 : memref<!tpu.dma_semaphore, #tpu.memory_space<semaphore_mem>>) src(%dma_wait3A_79 : memref<16x768xf32, #tpu.memory_space<vmem>>) dst(%dma_wait3A_76 : memref<16x768xf32, #tpu.memory_space<hbm>>)
    %dma_wait3A_80 = arith.constant 0 : i32
    %dma_wait3A_81 = arith.constant 0 : i32
    %dma_wait3A_82 = tpu.memref_slice %arg6[%dma_wait3A_80, %dma_wait3A_81] : memref<96x768xf32, #tpu.memory_space<vmem>> -> memref<16x768xf32, #tpu.memory_space<vmem>>
    %dma_wait3A_83 = arith.constant 0 : i32
    %dma_wait3A_84 = tpu.memref_slice %arg4[%mul3A_2, %dma_wait3A_83] : memref<32768x768xf32, #tpu.memory_space<hbm>> -> memref<16x768xf32, #tpu.memory_space<hbm>>
    %dma_wait3A_85 = arith.constant 0 : i32
    %dma_wait3A_86 = tpu.memref_slice %arg4[%mul3A_2, %dma_wait3A_85] : memref<32768x768xf32, #tpu.memory_space<hbm>> -> memref<16x768xf32, #tpu.memory_space<hbm>>
    %dma_wait3A_87 = arith.constant 0 : i32
    %dma_wait3A_88 = arith.constant 0 : i32
    %dma_wait3A_89 = tpu.memref_slice %arg6[%dma_wait3A_87, %dma_wait3A_88] : memref<96x768xf32, #tpu.memory_space<vmem>> -> memref<16x768xf32, #tpu.memory_space<vmem>>
    tpu.wait_dma2 semaphore(%arg8 : memref<!tpu.dma_semaphore, #tpu.memory_space<semaphore_mem>>) src(%dma_wait3A_89 : memref<16x768xf32, #tpu.memory_space<vmem>>) dst(%dma_wait3A_86 : memref<16x768xf32, #tpu.memory_space<hbm>>)
    %dma_wait3A_90 = arith.constant 0 : i32
    %dma_wait3A_91 = arith.constant 0 : i32
    %dma_wait3A_92 = tpu.memref_slice %arg6[%dma_wait3A_90, %dma_wait3A_91] : memref<96x768xf32, #tpu.memory_space<vmem>> -> memref<16x768xf32, #tpu.memory_space<vmem>>
    %dma_wait3A_93 = arith.constant 0 : i32
    %dma_wait3A_94 = tpu.memref_slice %arg4[%mul3A_2, %dma_wait3A_93] : memref<32768x768xf32, #tpu.memory_space<hbm>> -> memref<16x768xf32, #tpu.memory_space<hbm>>
    %dma_wait3A_95 = arith.constant 0 : i32
    %dma_wait3A_96 = tpu.memref_slice %arg4[%mul3A_2, %dma_wait3A_95] : memref<32768x768xf32, #tpu.memory_space<hbm>> -> memref<16x768xf32, #tpu.memory_space<hbm>>
    %dma_wait3A_97 = arith.constant 0 : i32
    %dma_wait3A_98 = arith.constant 0 : i32
    %dma_wait3A_99 = tpu.memref_slice %arg6[%dma_wait3A_97, %dma_wait3A_98] : memref<96x768xf32, #tpu.memory_space<vmem>> -> memref<16x768xf32, #tpu.memory_space<vmem>>
    tpu.wait_dma2 semaphore(%arg8 : memref<!tpu.dma_semaphore, #tpu.memory_space<semaphore_mem>>) src(%dma_wait3A_99 : memref<16x768xf32, #tpu.memory_space<vmem>>) dst(%dma_wait3A_96 : memref<16x768xf32, #tpu.memory_space<hbm>>)
    return
  }
}

</mosaic_0001>

<sc_bundles>
// kernel: _pitch_encode.3.cloned.1.call-start
scs
__scs_entry_jumppad:
0x0: {  	(pc) =	sbr.rel $0x88, $3  }
0x1: {  	(tag) =	ssettag $0x0;
	lr =	simm.s32 $0x1  }
0x2: {  	[smem:$0x3F9F] =	sst lr;
	_ =	strace $0xD0000000  }
0x3: {  	_ = 	snop  }
0x4: {  	_ = 	snop  }
0x5: {  	_ = 	snop  }
0x6: {  	_ = 	snop  }
0x7: {  	_ = 	snop  }
__scs_overlays_trampoline_lowered:
0x8: {  	[smem:$0x3FAE] =	sst s0  }
0x9: {  	[smem:$0x3FAF] =	sst s1  }
0xa: {  	[smem:$0x3FB0] =	sst s2  }
0xb: {  	[smem:$0x3FB1] =	sst s3  }
0xc: {  	[smem:$0x3FB2] =	sst s4  }
0xd: {  	[smem:$0x3FB3] =	sst s5  }
0xe: {  	[smem:$0x3FB4] =	sst s6  }
0xf: {  	[smem:$0x3FB5] =	sst s7  }
0x10: {  	[smem:$0x3FB6] =	sst s8  }
0x11: {  	[smem:$0x3FB7] =	sst s9;
	s0 =	simm.s32 @!p0 $0x0  }
0x12: {  	s1 =	sld [smem:$0x3F9D];
	s0 =	simm.s32 @p0 $0x1  }
0x13: {  	[smem:$0x3FB8] =	sst s0;
	s0 =	simm.s32 @!p1 $0x0  }
0x14: {  	s2 =	sld [smem:$0x3F9C];
	s0 =	simm.s32 @p1 $0x1  }
0x15: {  	[smem:$0x3FB9] =	sst s0;
	s0 =	simm.s32 @!p2 $0x0  }
0x16: {  	s3 =	sld [smem:$0x3FDB];
	s0 =	simm.s32 @p2 $0x1  }
0x17: {  	s4 =	simm.s32 $0x1BF5;
	[smem:$0x3FBB] =	sst s0  }
0x18: {  	s0 =	sld [smem:$0x3F9E];
	_ =	swait.ge [sflag:s4], $0x0  }
0x19: {  	s7 =	sld [smem:$0x3F9F]  }
0x1a: {  	s8 =	sadd.s32 $0xFFFFE003, lr  }
0x1b: {  	s9 =	sadd.s32 $0xFFFFFEF7, lr;
	s5 =	simm.s32 $0xFFFFFFFF;
	p2 =	slt.u32 s8, $0xFFFFF086  }
0x1c: {  	p1 =	slt.u32 s9, $0xF7A;
	s5 =	simm.s32 @!p2 $0x0  }
0x1d: {  	s5 =	simm.s32 @p1 $0x1;
	p0 =	seq.s32 s7, s2  }
0x1e: {  	s7 =	smul.u32 @!p0 $0xF7A, s2;
	p2 =	seq.s32 @!p0 s5, $0x0  }
0x1f: {  	s9 =	smul.u32 $0xF7A, s1;
	s8 =	simm.s32 @!p0 $0x1BF5;
	p2 =	por !p2, p0  }
0x20: {  	[sflag:s8] =	ssyncset.s32 @!p0 $0xFFFFF086;
	s6 =	sadd.s32 @!p0 s3, s7;
	s7 =	simm.s32 @!p0 $0x108  }
0x21: {  	s3 =	sadd.s32 s3, s9;
	s6 =	sadd.s32 @!p0 $0x88, s6;
	s7 =	simm.s32 @p2 $0x1082  }
0x22: {  	[simem:s7], [sflag:s8] =	dma.local @!p0 [hbm:s6], $0xF7A  }
0x23: {  	s9 =	sor.u32 $0xD0000000, s2;
	s6 =	simm.s32 $0x108;
	_ =	swait.ge @!p0 [sflag:s8], $0x0  }
0x24: {  	s3 =	sadd.s32 $0x88, s3;
	s6 =	simm.s32 @!p1 $0x1082;
	[sflag:s4] =	ssyncset.s32 $0xFFFFF086  }
0x25: {  	[simem:s6], [sflag:s4] =	dma.local [hbm:s3], $0xF7A  }
0x26: {  	[smem:$0x3F9F] =	sst s1;
	(tag) =	ssettag s2;
	_ =	strace s9  }
0x27: {  	s1 =	sld [smem:$0x3FAF]  }
0x28: {  	s2 =	sld [smem:$0x3FB0]  }
0x29: {  	s4 =	sld [smem:$0x3FB2]  }
0x2a: {  	p0 =	seq.s32 s5, $0x0;
	s5 =	sld [smem:$0x3FB3]  }
0x2b: {  	s6 =	sld [smem:$0x3FB4]  }
0x2c: {  	s7 =	sld [smem:$0x3FB5]  }
0x2d: {  	s3 =	simm.s32 $0x108;
	s8 =	sld [smem:$0x3FB6]  }
0x2e: {  	s3 =	simm.s32 @!p0 $0x1082;
	s9 =	sld [smem:$0x3FB7]  }
0x2f: {  	lr =	sadd.s32 s0, s3;
	s0 =	sld [smem:$0x3FAE]  }
0x30: {  	s3 =	sld [smem:$0x3FB1]  }
0x31: {  	[smem:$0x3FBA] =	sst s10  }
0x32: {  	s10 =	sld [smem:$0x3FB8];
	_ =	sdelay $0x3  }
0x33: {  	p0 =	seq.s32 s10, $0x1;
	s10 =	sld [smem:$0x3FBA];
	_ =	sdelay $0x3  }
0x34: {  	[smem:$0x3FBA] =	sst s10  }
0x35: {  	s10 =	sld [smem:$0x3FB9];
	_ =	sdelay $0x3  }
0x36: {  	p1 =	seq.s32 s10, $0x1;
	s10 =	sld [smem:$0x3FBA];
	_ =	sdelay $0x3  }
0x37: {  	[smem:$0x3FBA] =	sst s10  }
0x38: {  	s10 =	sld [smem:$0x3FBB]  }
0x39: {  	_ = 	snop;
	(pc) =	sbr.ind lr, $3  }
0x3a: {  	_ = 	snop  }
0x3b: {  	_ = 	snop  }
0x3c: {  	p2 =	seq.s32 s10, $0x1;
	s10 =	sld [smem:$0x3FBA]  }
0x3d: {  	_ =	shalt  }
0x3e: {  	_ =	shalt  }
0x3f: {  	_ =	shalt  }
0x40: {  	_ =	shalt  }
0x41: {  	_ =	shalt  }
0x42: {  	_ =	shalt  }
0x43: {  	_ =	shalt  }
0x44: {  	_ =	shalt  }
0x45: {  	_ =	shalt  }
0x46: {  	_ =	shalt  }
0x47: {  	_ =	shalt  }
0x48: {  	_ =	shalt  }
0x49: {  	_ =	shalt  }
0x4a: {  	_ =	shalt  }
0x4b: {  	_ =	shalt  }
0x4c: {  	_ =	shalt  }
0x4d: {  	_ =	shalt  }
0x4e: {  	_ =	shalt  }
0x4f: {  	_ =	shalt  }
0x50: {  	_ =	shalt  }
0x51: {  	_ =	shalt  }
0x52: {  	_ =	shalt  }
0x53: {  	_ =	shalt  }
0x54: {  	_ =	shalt  }
0x55: {  	_ =	shalt  }
0x56: {  	_ =	shalt  }
0x57: {  	_ =	shalt  }
0x58: {  	_ =	shalt  }
0x59: {  	_ =	shalt  }
0x5a: {  	_ =	shalt  }
0x5b: {  	_ =	shalt  }
0x5c: {  	_ =	shalt  }
0x5d: {  	_ =	shalt  }
0x5e: {  	_ =	shalt  }
0x5f: {  	_ =	shalt  }
0x60: {  	_ =	shalt  }
0x61: {  	_ =	shalt  }
0x62: {  	_ =	shalt  }
0x63: {  	_ =	shalt  }
0x64: {  	_ =	shalt  }
0x65: {  	_ =	shalt  }
0x66: {  	_ =	shalt  }
0x67: {  	_ =	shalt  }
0x68: {  	_ =	shalt  }
0x69: {  	_ =	shalt  }
0x6a: {  	_ =	shalt  }
0x6b: {  	_ =	shalt  }
0x6c: {  	_ =	shalt  }
0x6d: {  	_ =	shalt  }
0x6e: {  	_ =	shalt  }
0x6f: {  	_ =	shalt  }
0x70: {  	_ =	shalt  }
0x71: {  	_ =	shalt  }
0x72: {  	_ =	shalt  }
0x73: {  	_ =	shalt  }
0x74: {  	_ =	shalt  }
0x75: {  	_ =	shalt  }
0x76: {  	_ =	shalt  }
0x77: {  	_ =	shalt  }
0x78: {  	_ =	shalt  }
0x79: {  	_ =	shalt  }
0x7a: {  	_ =	shalt  }
0x7b: {  	_ =	shalt  }
0x7c: {  	_ =	shalt  }
0x7d: {  	_ =	shalt  }
0x7e: {  	_ =	shalt  }
0x7f: {  	_ =	shalt  }
0x80: {  	_ =	shalt  }
0x81: {  	_ =	shalt  }
0x82: {  	_ =	shalt  }
0x83: {  	_ =	shalt  }
0x84: {  	_ =	shalt  }
0x85: {  	_ =	shalt  }
0x86: {  	_ =	shalt  }
0x87: {  	_ =	shalt  }
.Lfunc_end0:
.L_simem_size_0:
called_computation_lowered:
.L_overlay_start_0:
0x88: {  	s2 =	sld [smem:$0x3FD9]  }
0x89: {  	s3 =	sld [smem:$0x3FFE];
	_ =	sdelay $0x1  }
0x8a: {  	s1 =	srdreg.scid  }
0x8b: {  	s0 =	sand.u32 $0x1, s1  }
0x8c: {  	s18 =	sshll.u32 s0, $0xA;
	s2 =	sadd.s32 s3, s2  }
0x8d: {  	s2 =	sadd.s32 s2, s18  }
0x8e: {  	[smem:$0x3FC6] =	sst s2  }
0x8f: {  	_ = 	snop  }
0x90: {  	s2 =	sld [smem:$0x3FC9]  }
0x91: {  	s19 =	sld [smem:$0x3FC8]  }
0x92: {  	s4 =	sld [smem:$0x3FD0];
	(tm) =	ssettm $0x1  }
0x93: {  	s5 =	sld [smem:$0x3FFB];
	_ =	sdelay $0x3  }
0x94: {  	_ =	strace s5  }
0x95: {  	s5 =	sld [smem:$0x3FFC];
	_ =	sdelay $0x3  }
0x96: {  	_ =	strace s5  }
0x97: {  	s5 =	sld [smem:$0x3FFD];
	_ =	sdelay $0x3  }
0x98: {  	_ =	strace s5  }
0x99: {  	_ =	strace $0x8FFFFFFF  }
0x9a: {  	s20 =	sld [smem:$0x3FDB];
	_ =	sdelay $0x1  }
0x9b: {  	s6 =	simm.s32 $_scs_section_size  }
0x9c: {  	s7 =	simm.s32 $_size__tile_overlayer_lowered;
	s8 =	simm.s32 $_tile_overlayer_lowered  }
0x9d: {  	s23 =	simm.s32 $0x1BFF;
	s22 =	sshll.u32 s8, $0x1;
	s5 =	sadd.s32 s6, s20  }
0x9e: {  	s9 =	simm.s32 $0x0;
	s21 =	sshll.u32 s7, $0x1;
	s7 =	sadd.s32 s22, s5  }
0x9f: {  	[timem:s9], [sflag:s23] =	dma.local [hbm:s7], s21  }
0xa0: {  	_ =	swait.ge [sflag:s23], s21  }
0xa1: {  	s6 =	ssub.s32 $0x0, s21;
	[sflag:s23] =	ssyncset.done $0x0  }
0xa2: {  	[sflag:s23] =	ssyncadd.s32 s6;
	_ =	sdelay $0x1  }
0xa3: {  	s24 =	simm.s32 $0x1B8B  }
0xa4: {  	_ =	swait.ge [sflag:s24], $0x1  }
0xa5: {  	[sflag:s24] =	ssyncset.done $0x0  }
0xa6: {  	s25 =	simm.s32 $0x1B8E;
	[sflag:s24] =	ssyncadd.s32 $0xFFFFFFFF  }
0xa7: {  	s26 =	simm.s32 $execute0_lowered;
	[smem:$0x3FD2] =	sst s25  }
0xa8: {  	s6 =	sshll.u32 s26, $0x1;
	_ =	strace $0x80000046;
	[dreg:$0x1] =	wrdreg $0xFFFFFFFF  }
0xa9: {  	s28 =	simm.s32 $_size_execute0_lowered;
	s5 =	sadd.s32 s5, s6;
	[dreg:$0x0] =	wrdreg $0x0  }
0xaa: {  	s6 =	sshll.u32 s28, $0x1;
	[dreg:$0x2] =	wrdreg s5  }
0xab: {  	[dreg:$0x3] =	wrdreg s6  }
0xac: {  	[dreg:$0x4] =	wrdreg $0xC0  }
0xad: {  	_ =	task [dreg:s9], $0x5FFFF  }
0xae: {  	[dreg:$0x1] =	wrdreg $0xFFFFFFFF  }
0xaf: {  	[dreg:$0x0] =	wrdreg $0x60  }
0xb0: {  	[dreg:$0x2] =	wrdreg s2  }
0xb1: {  	[dreg:$0x3] =	wrdreg s19  }
0xb2: {  	[dreg:$0x4] =	wrdreg s4  }
0xb3: {  	[dreg:$0x5] =	wrdreg $0x124000  }
0xb4: {  	[dreg:$0x6] =	wrdreg $0x9  }
0xb5: {  	_ =	task.clear_ibuf [dreg:s9], $0x7FFFF;
	_ =	strace $0x90000046  }
0xb6: {  	s29 =	simm.s32 $0x9;
	_ =	strace $0x80000048  }
0xb7: {  	_ =	swait.ge [sflag:s29], $0x1  }
0xb8: {  	[sflag:s29] =	ssyncadd.s32 $0xFFFFFFFF  }
0xb9: {  	_ =	strace $0x90000048  }
0xba: {  	_ =	sfence  }
0xbb: {  	s30 =	sld [smem:$0x0];
	_ =	sdelay $0x2  }
0xbc: {  	s31 =	sshll.u32 s1, $0xD;
	s1 =	sshrl.u32 s1, $0x2  }
0xbd: {  	s3 =	sand.u32 $0x4000, s31;
	s1 =	sadd.s32 s1, s30  }
0xbe: {  	s0 =	sor.u32 s3, s0;
	s1 =	sshll.u32 s1, $0x11  }
0xbf: {  	s0 =	sor.u32 s1, s0  }
0xc0: {  	s0 =	sadd.s32 $0x8F2B, s0  }
0xc1: {  	[sflag:s0] =	ssyncadd.remote.s32 $0x1  }
0xc2: {  	_ =	sfence.sel $0xFFFF  }
0xc3: {  	[dreg:$0x0] =	wrdreg $0xFFFFFFFF;
	(pc) =	sbr.abs _section_cstart, $3  }
0xc4: {  	[dreg:$0x1] =	wrdreg $0xFFFFFFFF  }
0xc5: {  	_ =	task.clear_ibuf [dreg:s9], $0x2FFFF;
	_ =	strace $0x9FFFFFFF  }
0xc6: {  	(tm) =	ssettm $0x7FFFFFFF  }
0xc7: {  	_ =	shalt  }
tec
execute0_lowered:
.L_overlay_start_1:
0x0: {  	(tag) =	ssettag $0x1  }
0x1: {  	s4 =	rddreg [dreg:$0x0]  }
0x2: {  	s0 =	rddreg [dreg:$0x1]  }
0x3: {  	v0 =	vimm.s32 $0xEFCDAB89;
	v1 =	vimm.s32 $0x67452301;
	s6 =	rddreg [dreg:$0x2];
	v2 =	vimm.s32 $0xDCFE98BA  }
0x4: {  	s1 =	srdreg.scid;
	v3 =	vimm.s32 $0x54761032;
	s2 =	rddreg [dreg:$0x4];
	v4 =	vimm.s32 $0xBA98FEDC;
	v5 =	vimm.s32 $0xFEDCBA98  }
0x5: {  	s7 =	stileid.u32;
	v6 =	vimm.s32 $0x32107654;
	v7 =	vimm.s32 $0x76543210;
	v0 =	vunpack.c.l.s4.s8 v0;
	s5 =	sand.u32 $0x1, s1;
	s1 =	rddreg [dreg:$0x3]  }
0x6: {  	v1 =	vunpack.c.l.s4.s8 v1;
	s3 =	sshll.u32 s7, $0xB;
	v2 =	vunpack.c.l.s4.s8 v2;
	v3 =	vunpack.c.l.s4.s8 v3;
	p0 =	sne.s32 s7, $0x0;
	s8 =	sshll.u32 s5, $0xA  }
0x7: {  	v5 =	vunpack.c.l.s4.s8 v5;
	v4 =	vunpack.c.l.s4.s8 v4;
	v6 =	vunpack.c.l.s4.s8 v6;
	s7 =	simm.s32 $0x2;
	s5 =	ssub.s32 $0x2, s5;
	s8 =	sor.u32 s8, s3  }
0x8: {  	v7 =	vunpack.c.l.s4.s8 v7;
	v0 =	vunpack.c.0.s8.s32 v0;
	v1 =	vunpack.c.0.s8.s32 v1;
	s3 =	simm.s32 $0x0;
	s9 =	sshrl.u32 s5, $0x1;
	s8 =	sshrl.u32 s8, $0x3  }
0x9: {  	v2 =	vunpack.c.0.s8.s32 v2;
	v3 =	vunpack.c.0.s8.s32 v3;
	v5 =	vunpack.c.0.s8.s32 v5;
	[smem:$0x7FF] =	sst s3;
	s5 =	ssub.s32 s5, s9;
	s10 =	smul.u32 $0x300, s8  }
0xa: {  	v4 =	vunpack.c.0.s8.s32 v4;
	v6 =	vunpack.c.0.s8.s32 v6;
	v7 =	vunpack.c.0.s8.s32 v7;
	s9 =	simm.s32 $0x1;
	_ =	strace $0x80000047;
	s4 =	sadd.s32 s4, s8  }
0xb: {  	s5 =	smax.u32 s5, $0x1;
	v0 =	vcombine.low v1, v0;
	v1 =	vcombine.low v3, v2;
	v3 =	vand.u32 $0xF, v5;
	s8 =	simm.s32 $0x400;
	s6 =	sadd.s32 s10, s6  }
0xc: {  	v2 =	vcombine.low v6, v4;
	v4 =	vimm.s32 $0x0;
	v3 =	vcombine.low v3, v7;
	s10 =	simm.s32 $0x0;
	[dreg:$0x5] =	wrdreg s6;
	s6 =	sshrl.u32 @!p0 s1, $0x3  }
.LBB2_1:
0xd: {  	s11 =	simm.s32 @!p0 $0x1C02  }
0xe: {  	[spmem:s6], [sflag:s11] =	dma.local @!p0 [hbm:s0], $0x2400  }
0xf: {  	s11 =	simm.s32 @!p0 $0x2  }
0x10: {  	_ =	swait.ge @!p0 [sflag:s11], $0x2400  }
0x11: {  	[sflag:s11] =	ssyncset.done @!p0 $0x0  }
0x12: {  	[sflag:s11] =	ssyncadd.s32 @!p0 $0xFFFFDC00  }
0x13: {  	[tilespmem:s3], [sflag:$0x2] =	stream.linear.gather [hbm4b:s4+s3], $0x400, $0x38;
	[tilespmem:$0x13600] =	vst v63  }
0x14: {  	_ =	swait.ge [sflag:s7], $0x400  }
0x15: {  	[sflag:s7] =	ssyncset.done $0x0  }
0x16: {  	[sflag:s7] =	ssyncadd.s32 $0xFFFFFC00  }
0x17: {  	[bflag:$0x0] =	sbarrier.arrive $0xFFFF  }
0x18: {  	[tilespmem:s8], [sflag:$0x2] =	stream.linear.gather [spmem:s1], $0x12000, $0x38;
	[tilespmem:$0x13600] =	vst v63  }
0x19: {  	_ =	swait.ge [sflag:s7], $0x12000  }
0x1a: {  	s12 =	simm.s32 $0x0;
	[sflag:s7] =	ssyncset.done $0x0  }
0x1b: {  	s13 =	simm.s32 $0x0;
	s11 =	simm.s32 $0x0;
	[sflag:s7] =	ssyncadd.s32 $0xFFFEE000  }
.LBB2_2:
0x1c: {  	v5 =	vld [tilespmem:s11+$0x0];
	_ =	sdelay $0x4  }
0x1d: {  	v6 =	vperm.xlane v5, v0;
	_ =	sdelay $0x1  }
0x1e: {  	v6 =	vadd.f32 v6, v5;
	_ =	sdelay $0x1  }
0x1f: {  	v7 =	vperm.xlane v6, v1;
	_ =	sdelay $0x1  }
0x20: {  	v6 =	vadd.f32 v7, v6;
	_ =	sdelay $0x1  }
0x21: {  	v7 =	vperm.xlane v6, v2;
	_ =	sdelay $0x1  }
0x22: {  	v6 =	vadd.f32 v7, v6;
	_ =	sdelay $0x1  }
0x23: {  	v7 =	vperm.xlane v6, v3;
	_ =	sdelay $0x1  }
0x24: {  	v6 =	vadd.f32 v7, v6;
	_ =	sdelay $0x1  }
0x25: {  	vm0 =	vlt.f32 v5, $0.0e+00;
	vm1 =	vgt.f32 v5, $0.0e+00;
	v5 =	vmul.f32 $6.250000000e-02, v6  }
0x26: {  	vm0 =	vmor vm1, vm0  }
0x27: {  	v5 =	vnsel vm0, $0x0, v5  }
0x28: {  	vm0 =	vgt.f32 v5, $2.831761550e+01;
	vm6 =	vgt.f32 v5, $3.000147250e+01  }
0x29: {  	vm7 =	vgt.f32 v5, $3.178545190e+01;
	v6 =	vsel vm0, $0x1, v4;
	v7 =	vsel vm6, $0x1, v4  }
0x2a: {  	vm8 =	vgt.f32 v5, $3.367551040e+01;
	v6 =	vadd.s32 v7, v6;
	v7 =	vsel vm7, $0x1, v4  }
0x2b: {  	vm9 =	vgt.f32 v5, $3.567796330e+01;
	v6 =	vadd.s32 v7, v6;
	v7 =	vsel vm8, $0x1, v4  }
0x2c: {  	vm10 =	vgt.f32 v5, $3.779948430e+01;
	v6 =	vadd.s32 v7, v6;
	v7 =	vsel vm9, $0x1, v4  }
0x2d: {  	vm11 =	vgt.f32 v5, $4.004715730e+01;
	v6 =	vadd.s32 v7, v6;
	v7 =	vsel vm10, $0x1, v4  }
0x2e: {  	vm12 =	vgt.f32 v5, $4.242848590e+01;
	v6 =	vadd.s32 v7, v6;
	v7 =	vsel vm11, $0x1, v4  }
0x2f: {  	vm13 =	vgt.f32 v5, $4.495141600e+01;
	v6 =	vadd.s32 v7, v6;
	v7 =	vsel vm12, $0x1, v4  }
0x30: {  	vm14 =	vgt.f32 v5, $4.762436680e+01;
	v6 =	vadd.s32 v7, v6;
	v7 =	vsel vm13, $0x1, v4  }
0x31: {  	vm15 =	vgt.f32 v5, $5.045626070e+01;
	v6 =	vadd.s32 v7, v6;
	v7 =	vsel vm14, $0x1, v4  }
0x32: {  	vm4 =	vgt.f32 v5, $5.345654300e+01;
	v6 =	vadd.s32 v7, v6;
	v7 =	vsel vm15, $0x1, v4  }
0x33: {  	vm5 =	vgt.f32 v5, $5.663523100e+01;
	v6 =	vadd.s32 v7, v6;
	v7 =	vsel vm4, $0x1, v4  }
0x34: {  	vm6 =	vgt.f32 v5, $6.000294490e+01;
	v6 =	vadd.s32 v7, v6;
	v7 =	vsel vm5, $0x1, v4  }
0x35: {  	vm7 =	vgt.f32 v5, $6.357090380e+01;
	v6 =	vadd.s32 v7, v6;
	v7 =	vsel vm6, $0x1, v4  }
0x36: {  	vm8 =	vgt.f32 v5, $6.735102080e+01;
	v6 =	vadd.s32 v7, v6;
	v7 =	vsel vm7, $0x1, v4  }
0x37: {  	vm9 =	vgt.f32 v5, $7.135592650e+01;
	v6 =	vadd.s32 v7, v6;
	v7 =	vsel vm8, $0x1, v4  }
0x38: {  	vm10 =	vgt.f32 v5, $7.559896850e+01;
	v6 =	vadd.s32 v7, v6;
	v7 =	vsel vm9, $0x1, v4  }
0x39: {  	vm11 =	vgt.f32 v5, $8.009431450e+01;
	v6 =	vadd.s32 v7, v6;
	v7 =	vsel vm10, $0x1, v4  }
0x3a: {  	vm12 =	vgt.f32 v5, $8.485697170e+01;
	v6 =	vadd.s32 v7, v6;
	v7 =	vsel vm11, $0x1, v4  }
0x3b: {  	vm13 =	vgt.f32 v5, $8.990283200e+01;
	v6 =	vadd.s32 v7, v6;
	v7 =	vsel vm12, $0x1, v4  }
0x3c: {  	vm14 =	vgt.f32 v5, $9.524873350e+01;
	v6 =	vadd.s32 v7, v6;
	v7 =	vsel vm13, $0x1, v4  }
0x3d: {  	vm15 =	vgt.f32 v5, $1.009125210e+02;
	v6 =	vadd.s32 v7, v6;
	v7 =	vsel vm14, $0x1, v4  }
0x3e: {  	vm4 =	vgt.f32 v5, $1.069130860e+02;
	v6 =	vadd.s32 v7, v6;
	v7 =	vsel vm15, $0x1, v4  }
0x3f: {  	vm5 =	vgt.f32 v5, $1.132704620e+02;
	v6 =	vadd.s32 v7, v6;
	v7 =	vsel vm4, $0x1, v4  }
0x40: {  	vm6 =	vgt.f32 v5, $1.200058750e+02;
	v6 =	vadd.s32 v7, v6;
	v7 =	vsel vm5, $0x1, v4  }
0x41: {  	vm7 =	vgt.f32 v5, $1.271418000e+02;
	v6 =	vadd.s32 v7, v6;
	v7 =	vsel vm6, $0x1, v4  }
0x42: {  	vm8 =	vgt.f32 v5, $1.347020570e+02;
	v6 =	vadd.s32 v7, v6;
	v7 =	vsel vm7, $0x1, v4  }
0x43: {  	vm9 =	vgt.f32 v5, $1.427118530e+02;
	v6 =	vadd.s32 v7, v6;
	v7 =	vsel vm8, $0x1, v4  }
0x44: {  	vm10 =	vgt.f32 v5, $1.511979370e+02;
	v6 =	vadd.s32 v7, v6;
	v7 =	vsel vm9, $0x1, v4  }
0x45: {  	vm11 =	vgt.f32 v5, $1.601886290e+02;
	v6 =	vadd.s32 v7, v6;
	v7 =	vsel vm10, $0x1, v4  }
0x46: {  	vm12 =	vgt.f32 v5, $1.697139590e+02;
	v6 =	vadd.s32 v7, v6;
	v7 =	vsel vm11, $0x1, v4  }
0x47: {  	vm13 =	vgt.f32 v5, $1.798056640e+02;
	v6 =	vadd.s32 v7, v6;
	v7 =	vsel vm12, $0x1, v4  }
0x48: {  	vm14 =	vgt.f32 v5, $1.904974670e+02;
	v6 =	vadd.s32 v7, v6;
	v7 =	vsel vm13, $0x1, v4  }
0x49: {  	vm15 =	vgt.f32 v5, $2.018250430e+02;
	v6 =	vadd.s32 v7, v6;
	v7 =	vsel vm14, $0x1, v4  }
0x4a: {  	vm4 =	vgt.f32 v5, $2.138261720e+02;
	v6 =	vadd.s32 v7, v6;
	v7 =	vsel vm15, $0x1, v4  }
0x4b: {  	vm5 =	vgt.f32 v5, $2.265409240e+02;
	v6 =	vadd.s32 v7, v6;
	v7 =	vsel vm4, $0x1, v4  }
0x4c: {  	vm6 =	vgt.f32 v5, $2.400117490e+02;
	v6 =	vadd.s32 v7, v6;
	v7 =	vsel vm5, $0x1, v4  }
0x4d: {  	vm7 =	vgt.f32 v5, $2.542836000e+02;
	v6 =	vadd.s32 v7, v6;
	v7 =	vsel vm6, $0x1, v4  }
0x4e: {  	vm8 =	vgt.f32 v5, $2.694040830e+02;
	v6 =	vadd.s32 v7, v6;
	v7 =	vsel vm7, $0x1, v4  }
0x4f: {  	vm9 =	vgt.f32 v5, $2.854237060e+02;
	v6 =	vadd.s32 v7, v6;
	v7 =	vsel vm8, $0x1, v4  }
0x50: {  	vm10 =	vgt.f32 v5, $3.023958740e+02;
	v6 =	vadd.s32 v7, v6;
	v7 =	vsel vm9, $0x1, v4  }
0x51: {  	vm11 =	vgt.f32 v5, $3.203772580e+02;
	v6 =	vadd.s32 v7, v6;
	v7 =	vsel vm10, $0x1, v4  }
0x52: {  	vm12 =	vgt.f32 v5, $3.394279170e+02;
	v6 =	vadd.s32 v7, v6;
	v7 =	vsel vm11, $0x1, v4  }
0x53: {  	vm13 =	vgt.f32 v5, $3.596113280e+02;
	v6 =	vadd.s32 v7, v6;
	v7 =	vsel vm12, $0x1, v4  }
0x54: {  	vm14 =	vgt.f32 v5, $3.809949340e+02;
	v6 =	vadd.s32 v7, v6;
	v7 =	vsel vm13, $0x1, v4  }
0x55: {  	vm15 =	vgt.f32 v5, $4.036500550e+02;
	v6 =	vadd.s32 v7, v6;
	v7 =	vsel vm14, $0x1, v4  }
0x56: {  	vm4 =	vgt.f32 v5, $4.276523440e+02;
	v6 =	vadd.s32 v7, v6;
	v7 =	vsel vm15, $0x1, v4  }
0x57: {  	vm5 =	vgt.f32 v5, $4.530818480e+02;
	v6 =	vadd.s32 v7, v6;
	v7 =	vsel vm4, $0x1, v4  }
0x58: {  	vm6 =	vgt.f32 v5, $4.800234990e+02;
	v6 =	vadd.s32 v7, v6;
	v7 =	vsel vm5, $0x1, v4  }
0x59: {  	vm7 =	vgt.f32 v5, $5.085672000e+02;
	v6 =	vadd.s32 v7, v6;
	v7 =	vsel vm6, $0x1, v4  }
0x5a: {  	vm8 =	vgt.f32 v5, $5.388082280e+02;
	v6 =	vadd.s32 v7, v6;
	v7 =	vsel vm7, $0x1, v4  }
0x5b: {  	vm9 =	vgt.f32 v5, $5.708474120e+02;
	v6 =	vadd.s32 v7, v6;
	v7 =	vsel vm8, $0x1, v4  }
0x5c: {  	vm10 =	vgt.f32 v5, $6.047917480e+02;
	v6 =	vadd.s32 v7, v6;
	v7 =	vsel vm9, $0x1, v4  }
0x5d: {  	vm11 =	vgt.f32 v5, $6.407545170e+02;
	v6 =	vadd.s32 v7, v6;
	v7 =	vsel vm10, $0x1, v4  }
0x5e: {  	vm12 =	vgt.f32 v5, $6.788558350e+02;
	v6 =	vadd.s32 v7, v6;
	v7 =	vsel vm11, $0x1, v4  }
0x5f: {  	vm13 =	vgt.f32 v5, $7.192226560e+02;
	v6 =	vadd.s32 v7, v6;
	v7 =	vsel vm12, $0x1, v4  }
0x60: {  	vm14 =	vgt.f32 v5, $7.619898680e+02;
	v6 =	vadd.s32 v7, v6;
	v7 =	vsel vm13, $0x1, v4  }
0x61: {  	vm15 =	vgt.f32 v5, $8.073001710e+02;
	v6 =	vadd.s32 v7, v6;
	v7 =	vsel vm14, $0x1, v4  }
0x62: {  	vm4 =	vgt.f32 v5, $8.553046880e+02;
	v6 =	vadd.s32 v7, v6;
	v7 =	vsel vm15, $0x1, v4  }
0x63: {  	vm5 =	vgt.f32 v5, $9.061636960e+02;
	v6 =	vadd.s32 v7, v6;
	v7 =	vsel vm4, $0x1, v4  }
0x64: {  	vm6 =	vgt.f32 v5, $9.600469970e+02;
	v6 =	vadd.s32 v7, v6;
	v7 =	vsel vm5, $0x1, v4  }
0x65: {  	vm7 =	vgt.f32 v5, $1.017134400e+03;
	v6 =	vadd.s32 v7, v6;
	v7 =	vsel vm6, $0x1, v4  }
0x66: {  	vm8 =	vgt.f32 v5, $1.077616460e+03;
	v6 =	vadd.s32 v7, v6;
	v7 =	vsel vm7, $0x1, v4  }
0x67: {  	vm9 =	vgt.f32 v5, $1.141694820e+03;
	v6 =	vadd.s32 v7, v6;
	v7 =	vsel vm8, $0x1, v4  }
0x68: {  	vm10 =	vgt.f32 v5, $1.209583500e+03;
	v6 =	vadd.s32 v7, v6;
	v7 =	vsel vm9, $0x1, v4  }
0x69: {  	vm11 =	vgt.f32 v5, $1.281509030e+03;
	v6 =	vadd.s32 v7, v6;
	v7 =	vsel vm10, $0x1, v4  }
0x6a: {  	vm12 =	vgt.f32 v5, $1.357711670e+03;
	v6 =	vadd.s32 v7, v6;
	v7 =	vsel vm11, $0x1, v4  }
0x6b: {  	vm13 =	vgt.f32 v5, $1.438445310e+03;
	v6 =	vadd.s32 v7, v6;
	v7 =	vsel vm12, $0x1, v4  }
0x6c: {  	vm14 =	vgt.f32 v5, $1.523979740e+03;
	v6 =	vadd.s32 v7, v6;
	v7 =	vsel vm13, $0x1, v4  }
0x6d: {  	vm15 =	vgt.f32 v5, $1.614600340e+03;
	v6 =	vadd.s32 v7, v6;
	v7 =	vsel vm14, $0x1, v4  }
0x6e: {  	vm4 =	vgt.f32 v5, $1.710609380e+03;
	v6 =	vadd.s32 v7, v6;
	v7 =	vsel vm15, $0x1, v4  }
0x6f: {  	vm5 =	vgt.f32 v5, $1.812327390e+03;
	v6 =	vadd.s32 v7, v6;
	v7 =	vsel vm4, $0x1, v4  }
0x70: {  	vm6 =	vgt.f32 v5, $1.920094240e+03;
	v6 =	vadd.s32 v7, v6;
	v7 =	vsel vm5, $0x1, v4  }
0x71: {  	vm7 =	vgt.f32 v5, $2.034268920e+03;
	v6 =	vadd.s32 v7, v6;
	v7 =	vsel vm6, $0x1, v4  }
0x72: {  	vm8 =	vgt.f32 v5, $2.155232670e+03;
	v6 =	vadd.s32 v7, v6;
	v7 =	vsel vm7, $0x1, v4  }
0x73: {  	vm9 =	vgt.f32 v5, $2.283389650e+03;
	v6 =	vadd.s32 v7, v6;
	v7 =	vsel vm8, $0x1, v4  }
0x74: {  	vm10 =	vgt.f32 v5, $2.419166990e+03;
	v6 =	vadd.s32 v7, v6;
	v7 =	vsel vm9, $0x1, v4  }
0x75: {  	vm11 =	vgt.f32 v5, $2.563018070e+03;
	v6 =	vadd.s32 v7, v6;
	v7 =	vsel vm10, $0x1, v4  }
0x76: {  	vm12 =	vgt.f32 v5, $2.715423100e+03;
	v6 =	vadd.s32 v7, v6;
	v7 =	vsel vm11, $0x1, v4  }
0x77: {  	vm13 =	vgt.f32 v5, $2.876890630e+03;
	v6 =	vadd.s32 v7, v6;
	v7 =	vsel vm12, $0x1, v4  }
0x78: {  	vm14 =	vgt.f32 v5, $3.047959470e+03;
	v6 =	vadd.s32 v7, v6;
	v7 =	vsel vm13, $0x1, v4  }
0x79: {  	vm15 =	vgt.f32 v5, $3.229200680e+03;
	v6 =	vadd.s32 v7, v6;
	v7 =	vsel vm14, $0x1, v4  }
0x7a: {  	vm4 =	vgt.f32 v5, $3.421218750e+03;
	v6 =	vadd.s32 v7, v6;
	v7 =	vsel vm15, $0x1, v4  }
0x7b: {  	vm5 =	vgt.f32 v5, $3.624654790e+03;
	v6 =	vadd.s32 v7, v6;
	v7 =	vsel vm4, $0x1, v4  }
0x7c: {  	vm6 =	vgt.f32 v5, $3.840188480e+03;
	v6 =	vadd.s32 v7, v6;
	v7 =	vsel vm5, $0x1, v4  }
0x7d: {  	vm7 =	vgt.f32 v5, $4.068537840e+03;
	v6 =	vadd.s32 v7, v6;
	v7 =	vsel vm6, $0x1, v4  }
0x7e: {  	vm8 =	vgt.f32 v5, $4.310465330e+03;
	v6 =	vadd.s32 v7, v6;
	v7 =	vsel vm7, $0x1, v4  }
0x7f: {  	vm9 =	vgt.f32 v5, $4.566779300e+03;
	v6 =	vadd.s32 v7, v6;
	v7 =	vsel vm8, $0x1, v4  }
0x80: {  	vm10 =	vgt.f32 v5, $4.838333980e+03;
	v6 =	vadd.s32 v7, v6;
	v7 =	vsel vm9, $0x1, v4  }
0x81: {  	vm11 =	vgt.f32 v5, $5.126036130e+03;
	v6 =	vadd.s32 v7, v6;
	v7 =	vsel vm10, $0x1, v4  }
0x82: {  	vm12 =	vgt.f32 v5, $5.430846190e+03;
	v6 =	vadd.s32 v7, v6;
	v7 =	vsel vm11, $0x1, v4  }
0x83: {  	vm13 =	vgt.f32 v5, $5.753781250e+03;
	v6 =	vadd.s32 v7, v6;
	v7 =	vsel vm12, $0x1, v4  }
0x84: {  	vm14 =	vgt.f32 v5, $6.095918950e+03;
	v6 =	vadd.s32 v7, v6;
	v7 =	vsel vm13, $0x1, v4  }
0x85: {  	vm15 =	vgt.f32 v5, $6.458401370e+03;
	v6 =	vadd.s32 v7, v6;
	v7 =	vsel vm14, $0x1, v4  }
0x86: {  	v5 =	vadd.s32 v7, v6;
	v6 =	vsel vm15, $0x1, v4  }
0x87: {  	v5 =	vadd.s32 v6, v5  }
0x88: {  	(v2sf) =	vpush v5, $0x0;
	_ =	sdelay $0xe  }
0x89: {  	s14 =	spop (v2sf)  }
0x8a: {  	(v2sf) =	vpush v5, $0x1;
	s15 =	sshrl.u32 s14, $0x3  }
0x8b: {  	s15 =	smul.u32 $0x6000, s15  }
0x8c: {  	s14 =	sshll.u32 s14, $0x7  }
0x8d: {  	s14 =	sand.u32 $0x380, s14;
	s15 =	sshra.s32 s15, $0x2  }
0x8e: {  	s16 =	rddreg [dreg:$0x5];
	s15 =	sor.u32 s14, s15  }
0x8f: {  	s14 =	sadd.s32 s12, s16;
	s17 =	sor.u32 $0x400, s15  }
0x90: {  	[hbm4b:s14+s3] =	stream.linear.scatter [tilespmem:s17], [sflag:$0x1], $0x80, $0x38;
	[tilespmem:$0x13600] =	vst v63  }
0x91: {  	s25 =	sadd.s32 $0x800, s15;
	s26 =	sadd.s32 $0x80, s14  }
0x92: {  	[hbm4b:s26+s3] =	stream.linear.scatter [tilespmem:s25], [sflag:$0x1], $0x80, $0x38;
	[tilespmem:$0x13600] =	vst v63  }
0x93: {  	s28 =	sadd.s32 $0xC00, s15;
	s29 =	sadd.s32 $0x100, s14  }
0x94: {  	[hbm4b:s29+s3] =	stream.linear.scatter [tilespmem:s28], [sflag:$0x1], $0x80, $0x38;
	[tilespmem:$0x13600] =	vst v63  }
0x95: {  	s30 =	sadd.s32 $0x1000, s15;
	s31 =	sadd.s32 $0x180, s14  }
0x96: {  	[hbm4b:s31+s3] =	stream.linear.scatter [tilespmem:s30], [sflag:$0x1], $0x80, $0x38;
	[tilespmem:$0x13600] =	vst v63  }
0x97: {  	s18 =	sadd.s32 $0x200, s14;
	s17 =	sadd.s32 $0x1400, s15  }
0x98: {  	[hbm4b:s18+s3] =	stream.linear.scatter [tilespmem:s17], [sflag:$0x1], $0x80, $0x38;
	[tilespmem:$0x13600] =	vst v63  }
0x99: {  	s20 =	spop (v2sf)  }
0x9a: {  	s19 =	sadd.s32 $0x280, s14;
	s15 =	sadd.s32 $0x1800, s15;
	s21 =	sshrl.u32 s20, $0x3  }
0x9b: {  	(v2sf) =	vpush v5, $0x2;
	[hbm4b:s19+s3] =	stream.linear.scatter [tilespmem:s15], [sflag:$0x1], $0x80, $0x38;
	[tilespmem:$0x13600] =	vst v63  }
0x9c: {  	s16 =	smul.u32 $0x6000, s21  }
0x9d: {  	s15 =	sshll.u32 s20, $0x7  }
0x9e: {  	s15 =	sand.u32 $0x380, s15;
	s16 =	sshra.s32 s16, $0x2  }
0x9f: {  	s15 =	sor.u32 s15, s16  }
0xa0: {  	s22 =	sadd.s32 $0x10, s14;
	s16 =	sor.u32 $0x400, s15  }
0xa1: {  	[hbm4b:s22+s3] =	stream.linear.scatter [tilespmem:s16], [sflag:$0x1], $0x80, $0x38;
	[tilespmem:$0x13600] =	vst v63  }
0xa2: {  	s24 =	sadd.s32 $0x90, s14;
	s23 =	sadd.s32 $0x800, s15  }
0xa3: {  	[hbm4b:s24+s3] =	stream.linear.scatter [tilespmem:s23], [sflag:$0x1], $0x80, $0x38;
	[tilespmem:$0x13600] =	vst v63  }
0xa4: {  	s26 =	sadd.s32 $0x110, s14;
	s25 =	sadd.s32 $0xC00, s15  }
0xa5: {  	[hbm4b:s26+s3] =	stream.linear.scatter [tilespmem:s25], [sflag:$0x1], $0x80, $0x38;
	[tilespmem:$0x13600] =	vst v63  }
0xa6: {  	s29 =	sadd.s32 $0x190, s14;
	s28 =	sadd.s32 $0x1000, s15  }
0xa7: {  	[hbm4b:s29+s3] =	stream.linear.scatter [tilespmem:s28], [sflag:$0x1], $0x80, $0x38;
	[tilespmem:$0x13600] =	vst v63  }
0xa8: {  	s31 =	sadd.s32 $0x210, s14;
	s30 =	sadd.s32 $0x1400, s15  }
0xa9: {  	[hbm4b:s31+s3] =	stream.linear.scatter [tilespmem:s30], [sflag:$0x1], $0x80, $0x38;
	[tilespmem:$0x13600] =	vst v63  }
0xaa: {  	s18 =	spop (v2sf)  }
0xab: {  	s17 =	sadd.s32 $0x290, s14;
	s15 =	sadd.s32 $0x1800, s15;
	s19 =	sshrl.u32 s18, $0x3  }
0xac: {  	(v2sf) =	vpush v5, $0x3;
	[hbm4b:s17+s3] =	stream.linear.scatter [tilespmem:s15], [sflag:$0x1], $0x80, $0x38;
	[tilespmem:$0x13600] =	vst v63  }
0xad: {  	s16 =	smul.u32 $0x6000, s19  }
0xae: {  	s15 =	sshll.u32 s18, $0x7  }
0xaf: {  	s15 =	sand.u32 $0x380, s15;
	s16 =	sshra.s32 s16, $0x2  }
0xb0: {  	s15 =	sor.u32 s15, s16  }
0xb1: {  	s20 =	sadd.s32 $0x20, s14;
	s16 =	sor.u32 $0x400, s15  }
0xb2: {  	[hbm4b:s20+s3] =	stream.linear.scatter [tilespmem:s16], [sflag:$0x1], $0x80, $0x38;
	[tilespmem:$0x13600] =	vst v63  }
0xb3: {  	s22 =	sadd.s32 $0xA0, s14;
	s21 =	sadd.s32 $0x800, s15  }
0xb4: {  	[hbm4b:s22+s3] =	stream.linear.scatter [tilespmem:s21], [sflag:$0x1], $0x80, $0x38;
	[tilespmem:$0x13600] =	vst v63  }
0xb5: {  	s24 =	sadd.s32 $0x120, s14;
	s23 =	sadd.s32 $0xC00, s15  }
0xb6: {  	[hbm4b:s24+s3] =	stream.linear.scatter [tilespmem:s23], [sflag:$0x1], $0x80, $0x38;
	[tilespmem:$0x13600] =	vst v63  }
0xb7: {  	s26 =	sadd.s32 $0x1A0, s14;
	s25 =	sadd.s32 $0x1000, s15  }
0xb8: {  	[hbm4b:s26+s3] =	stream.linear.scatter [tilespmem:s25], [sflag:$0x1], $0x80, $0x38;
	[tilespmem:$0x13600] =	vst v63  }
0xb9: {  	s29 =	sadd.s32 $0x220, s14;
	s28 =	sadd.s32 $0x1400, s15  }
0xba: {  	[hbm4b:s29+s3] =	stream.linear.scatter [tilespmem:s28], [sflag:$0x1], $0x80, $0x38;
	[tilespmem:$0x13600] =	vst v63  }
0xbb: {  	s31 =	spop (v2sf)  }
0xbc: {  	s30 =	sadd.s32 $0x2A0, s14;
	s15 =	sadd.s32 $0x1800, s15;
	s17 =	sshrl.u32 s31, $0x3  }
0xbd: {  	(v2sf) =	vpush v5, $0x4;
	[hbm4b:s30+s3] =	stream.linear.scatter [tilespmem:s15], [sflag:$0x1], $0x80, $0x38;
	[tilespmem:$0x13600] =	vst v63  }
0xbe: {  	s16 =	smul.u32 $0x6000, s17  }
0xbf: {  	s15 =	sshll.u32 s31, $0x7  }
0xc0: {  	s15 =	sand.u32 $0x380, s15;
	s16 =	sshra.s32 s16, $0x2  }
0xc1: {  	s15 =	sor.u32 s15, s16  }
0xc2: {  	s18 =	sadd.s32 $0x30, s14;
	s16 =	sor.u32 $0x400, s15  }
0xc3: {  	[hbm4b:s18+s3] =	stream.linear.scatter [tilespmem:s16], [sflag:$0x1], $0x80, $0x38;
	[tilespmem:$0x13600] =	vst v63  }
0xc4: {  	s20 =	sadd.s32 $0xB0, s14;
	s19 =	sadd.s32 $0x800, s15  }
0xc5: {  	[hbm4b:s20+s3] =	stream.linear.scatter [tilespmem:s19], [sflag:$0x1], $0x80, $0x38;
	[tilespmem:$0x13600] =	vst v63  }
0xc6: {  	s22 =	sadd.s32 $0x130, s14;
	s21 =	sadd.s32 $0xC00, s15  }
0xc7: {  	[hbm4b:s22+s3] =	stream.linear.scatter [tilespmem:s21], [sflag:$0x1], $0x80, $0x38;
	[tilespmem:$0x13600] =	vst v63  }
0xc8: {  	s24 =	sadd.s32 $0x1B0, s14;
	s23 =	sadd.s32 $0x1000, s15  }
0xc9: {  	[hbm4b:s24+s3] =	stream.linear.scatter [tilespmem:s23], [sflag:$0x1], $0x80, $0x38;
	[tilespmem:$0x13600] =	vst v63  }
0xca: {  	s26 =	sadd.s32 $0x230, s14;
	s25 =	sadd.s32 $0x1400, s15  }
0xcb: {  	[hbm4b:s26+s3] =	stream.linear.scatter [tilespmem:s25], [sflag:$0x1], $0x80, $0x38;
	[tilespmem:$0x13600] =	vst v63  }
0xcc: {  	s29 =	spop (v2sf)  }
0xcd: {  	s28 =	sadd.s32 $0x2B0, s14;
	s15 =	sadd.s32 $0x1800, s15;
	s30 =	sshrl.u32 s29, $0x3  }
0xce: {  	(v2sf) =	vpush v5, $0x5;
	[hbm4b:s28+s3] =	stream.linear.scatter [tilespmem:s15], [sflag:$0x1], $0x80, $0x38;
	[tilespmem:$0x13600] =	vst v63  }
0xcf: {  	s16 =	smul.u32 $0x6000, s30  }
0xd0: {  	s15 =	sshll.u32 s29, $0x7  }
0xd1: {  	s15 =	sand.u32 $0x380, s15;
	s16 =	sshra.s32 s16, $0x2  }
0xd2: {  	s15 =	sor.u32 s15, s16  }
0xd3: {  	s31 =	sadd.s32 $0x40, s14;
	s16 =	sor.u32 $0x400, s15  }
0xd4: {  	[hbm4b:s31+s3] =	stream.linear.scatter [tilespmem:s16], [sflag:$0x1], $0x80, $0x38;
	[tilespmem:$0x13600] =	vst v63  }
0xd5: {  	s18 =	sadd.s32 $0xC0, s14;
	s17 =	sadd.s32 $0x800, s15  }
0xd6: {  	[hbm4b:s18+s3] =	stream.linear.scatter [tilespmem:s17], [sflag:$0x1], $0x80, $0x38;
	[tilespmem:$0x13600] =	vst v63  }
0xd7: {  	s20 =	sadd.s32 $0x140, s14;
	s19 =	sadd.s32 $0xC00, s15  }
0xd8: {  	[hbm4b:s20+s3] =	stream.linear.scatter [tilespmem:s19], [sflag:$0x1], $0x80, $0x38;
	[tilespmem:$0x13600] =	vst v63  }
0xd9: {  	s22 =	sadd.s32 $0x1C0, s14;
	s21 =	sadd.s32 $0x1000, s15  }
0xda: {  	[hbm4b:s22+s3] =	stream.linear.scatter [tilespmem:s21], [sflag:$0x1], $0x80, $0x38;
	[tilespmem:$0x13600] =	vst v63  }
0xdb: {  	s24 =	sadd.s32 $0x240, s14;
	s23 =	sadd.s32 $0x1400, s15  }
0xdc: {  	[hbm4b:s24+s3] =	stream.linear.scatter [tilespmem:s23], [sflag:$0x1], $0x80, $0x38;
	[tilespmem:$0x13600] =	vst v63  }
0xdd: {  	s26 =	spop (v2sf)  }
0xde: {  	s25 =	sadd.s32 $0x2C0, s14;
	s15 =	sadd.s32 $0x1800, s15;
	s28 =	sshrl.u32 s26, $0x3  }
0xdf: {  	(v2sf) =	vpush v5, $0x6;
	[hbm4b:s25+s3] =	stream.linear.scatter [tilespmem:s15], [sflag:$0x1], $0x80, $0x38;
	[tilespmem:$0x13600] =	vst v63  }
0xe0: {  	s16 =	smul.u32 $0x6000, s28  }
0xe1: {  	s15 =	sshll.u32 s26, $0x7  }
0xe2: {  	s15 =	sand.u32 $0x380, s15;
	s16 =	sshra.s32 s16, $0x2  }
0xe3: {  	s15 =	sor.u32 s15, s16  }
0xe4: {  	s29 =	sadd.s32 $0x50, s14;
	s16 =	sor.u32 $0x400, s15  }
0xe5: {  	[hbm4b:s29+s3] =	stream.linear.scatter [tilespmem:s16], [sflag:$0x1], $0x80, $0x38;
	[tilespmem:$0x13600] =	vst v63  }
0xe6: {  	s31 =	sadd.s32 $0xD0, s14;
	s30 =	sadd.s32 $0x800, s15  }
0xe7: {  	[hbm4b:s31+s3] =	stream.linear.scatter [tilespmem:s30], [sflag:$0x1], $0x80, $0x38;
	[tilespmem:$0x13600] =	vst v63  }
0xe8: {  	s18 =	sadd.s32 $0x150, s14;
	s17 =	sadd.s32 $0xC00, s15  }
0xe9: {  	[hbm4b:s18+s3] =	stream.linear.scatter [tilespmem:s17], [sflag:$0x1], $0x80, $0x38;
	[tilespmem:$0x13600] =	vst v63  }
0xea: {  	s20 =	sadd.s32 $0x1D0, s14;
	s19 =	sadd.s32 $0x1000, s15  }
0xeb: {  	[hbm4b:s20+s3] =	stream.linear.scatter [tilespmem:s19], [sflag:$0x1], $0x80, $0x38;
	[tilespmem:$0x13600] =	vst v63  }
0xec: {  	s22 =	sadd.s32 $0x250, s14;
	s21 =	sadd.s32 $0x1400, s15  }
0xed: {  	[hbm4b:s22+s3] =	stream.linear.scatter [tilespmem:s21], [sflag:$0x1], $0x80, $0x38;
	[tilespmem:$0x13600] =	vst v63  }
0xee: {  	s24 =	spop (v2sf)  }
0xef: {  	s23 =	sadd.s32 $0x2D0, s14;
	s15 =	sadd.s32 $0x1800, s15;
	s25 =	sshrl.u32 s24, $0x3  }
0xf0: {  	(v2sf) =	vpush v5, $0x7;
	[hbm4b:s23+s3] =	stream.linear.scatter [tilespmem:s15], [sflag:$0x1], $0x80, $0x38;
	[tilespmem:$0x13600] =	vst v63  }
0xf1: {  	s16 =	smul.u32 $0x6000, s25  }
0xf2: {  	s15 =	sshll.u32 s24, $0x7  }
0xf3: {  	s15 =	sand.u32 $0x380, s15;
	s16 =	sshra.s32 s16, $0x2  }
0xf4: {  	s15 =	sor.u32 s15, s16  }
0xf5: {  	s26 =	sadd.s32 $0x60, s14;
	s16 =	sor.u32 $0x400, s15  }
0xf6: {  	[hbm4b:s26+s3] =	stream.linear.scatter [tilespmem:s16], [sflag:$0x1], $0x80, $0x38;
	[tilespmem:$0x13600] =	vst v63  }
0xf7: {  	s29 =	sadd.s32 $0xE0, s14;
	s28 =	sadd.s32 $0x800, s15  }
0xf8: {  	[hbm4b:s29+s3] =	stream.linear.scatter [tilespmem:s28], [sflag:$0x1], $0x80, $0x38;
	[tilespmem:$0x13600] =	vst v63  }
0xf9: {  	s31 =	sadd.s32 $0x160, s14;
	s30 =	sadd.s32 $0xC00, s15  }
0xfa: {  	[hbm4b:s31+s3] =	stream.linear.scatter [tilespmem:s30], [sflag:$0x1], $0x80, $0x38;
	[tilespmem:$0x13600] =	vst v63  }
0xfb: {  	s18 =	sadd.s32 $0x1E0, s14;
	s17 =	sadd.s32 $0x1000, s15  }
0xfc: {  	[hbm4b:s18+s3] =	stream.linear.scatter [tilespmem:s17], [sflag:$0x1], $0x80, $0x38;
	[tilespmem:$0x13600] =	vst v63  }
0xfd: {  	s20 =	sadd.s32 $0x260, s14;
	s19 =	sadd.s32 $0x1400, s15  }
0xfe: {  	[hbm4b:s20+s3] =	stream.linear.scatter [tilespmem:s19], [sflag:$0x1], $0x80, $0x38;
	[tilespmem:$0x13600] =	vst v63  }
0xff: {  	s22 =	spop (v2sf)  }
0x100: {  	s21 =	sadd.s32 $0x2E0, s14;
	s15 =	sadd.s32 $0x1800, s15;
	s23 =	sshrl.u32 s22, $0x3  }
0x101: {  	(v2sf) =	vpush v5, $0x8;
	[hbm4b:s21+s3] =	stream.linear.scatter [tilespmem:s15], [sflag:$0x1], $0x80, $0x38;
	[tilespmem:$0x13600] =	vst v63  }
0x102: {  	s16 =	smul.u32 $0x6000, s23  }
0x103: {  	s15 =	sshll.u32 s22, $0x7  }
0x104: {  	s15 =	sand.u32 $0x380, s15;
	s16 =	sshra.s32 s16, $0x2  }
0x105: {  	s15 =	sor.u32 s15, s16  }
0x106: {  	s24 =	sadd.s32 $0x70, s14;
	s16 =	sor.u32 $0x400, s15  }
0x107: {  	[hbm4b:s24+s3] =	stream.linear.scatter [tilespmem:s16], [sflag:$0x1], $0x80, $0x38;
	[tilespmem:$0x13600] =	vst v63  }
0x108: {  	s26 =	sadd.s32 $0xF0, s14;
	s25 =	sadd.s32 $0x800, s15  }
0x109: {  	[hbm4b:s26+s3] =	stream.linear.scatter [tilespmem:s25], [sflag:$0x1], $0x80, $0x38;
	[tilespmem:$0x13600] =	vst v63  }
0x10a: {  	s29 =	sadd.s32 $0x170, s14;
	s28 =	sadd.s32 $0xC00, s15  }
0x10b: {  	[hbm4b:s29+s3] =	stream.linear.scatter [tilespmem:s28], [sflag:$0x1], $0x80, $0x38;
	[tilespmem:$0x13600] =	vst v63  }
0x10c: {  	s31 =	sadd.s32 $0x1F0, s14;
	s30 =	sadd.s32 $0x1000, s15  }
0x10d: {  	[hbm4b:s31+s3] =	stream.linear.scatter [tilespmem:s30], [sflag:$0x1], $0x80, $0x38;
	[tilespmem:$0x13600] =	vst v63  }
0x10e: {  	s18 =	sadd.s32 $0x270, s14;
	s17 =	sadd.s32 $0x1400, s15  }
0x10f: {  	[hbm4b:s18+s3] =	stream.linear.scatter [tilespmem:s17], [sflag:$0x1], $0x80, $0x38;
	[tilespmem:$0x13600] =	vst v63  }
0x110: {  	s20 =	spop (v2sf)  }
0x111: {  	s19 =	sadd.s32 $0x2F0, s14;
	s15 =	sadd.s32 $0x1800, s15;
	s21 =	sshrl.u32 s20, $0x3  }
0x112: {  	(v2sf) =	vpush v5, $0x9;
	[hbm4b:s19+s3] =	stream.linear.scatter [tilespmem:s15], [sflag:$0x1], $0x80, $0x38;
	[tilespmem:$0x13600] =	vst v63  }
0x113: {  	s16 =	smul.u32 $0x6000, s21  }
0x114: {  	s15 =	sshll.u32 s20, $0x7  }
0x115: {  	s15 =	sand.u32 $0x380, s15;
	s16 =	sshra.s32 s16, $0x2  }
0x116: {  	s15 =	sor.u32 s15, s16  }
0x117: {  	s22 =	sadd.s32 $0x300, s14;
	s16 =	sor.u32 $0x400, s15  }
0x118: {  	[hbm4b:s22+s3] =	stream.linear.scatter [tilespmem:s16], [sflag:$0x1], $0x80, $0x38;
	[tilespmem:$0x13600] =	vst v63  }
0x119: {  	s24 =	sadd.s32 $0x380, s14;
	s23 =	sadd.s32 $0x800, s15  }
0x11a: {  	[hbm4b:s24+s3] =	stream.linear.scatter [tilespmem:s23], [sflag:$0x1], $0x80, $0x38;
	[tilespmem:$0x13600] =	vst v63  }
0x11b: {  	s26 =	sadd.s32 $0x400, s14;
	s25 =	sadd.s32 $0xC00, s15  }
0x11c: {  	[hbm4b:s26+s3] =	stream.linear.scatter [tilespmem:s25], [sflag:$0x1], $0x80, $0x38;
	[tilespmem:$0x13600] =	vst v63  }
0x11d: {  	s29 =	sadd.s32 $0x480, s14;
	s28 =	sadd.s32 $0x1000, s15  }
0x11e: {  	[hbm4b:s29+s3] =	stream.linear.scatter [tilespmem:s28], [sflag:$0x1], $0x80, $0x38;
	[tilespmem:$0x13600] =	vst v63  }
0x11f: {  	s31 =	sadd.s32 $0x500, s14;
	s30 =	sadd.s32 $0x1400, s15  }
0x120: {  	[hbm4b:s31+s3] =	stream.linear.scatter [tilespmem:s30], [sflag:$0x1], $0x80, $0x38;
	[tilespmem:$0x13600] =	vst v63  }
0x121: {  	s18 =	spop (v2sf)  }
0x122: {  	s17 =	sadd.s32 $0x580, s14;
	s15 =	sadd.s32 $0x1800, s15;
	s19 =	sshrl.u32 s18, $0x3  }
0x123: {  	(v2sf) =	vpush v5, $0xA;
	[hbm4b:s17+s3] =	stream.linear.scatter [tilespmem:s15], [sflag:$0x1], $0x80, $0x38;
	[tilespmem:$0x13600] =	vst v63  }
0x124: {  	s16 =	smul.u32 $0x6000, s19  }
0x125: {  	s15 =	sshll.u32 s18, $0x7  }
0x126: {  	s15 =	sand.u32 $0x380, s15;
	s16 =	sshra.s32 s16, $0x2  }
0x127: {  	s15 =	sor.u32 s15, s16  }
0x128: {  	s20 =	sadd.s32 $0x310, s14;
	s16 =	sor.u32 $0x400, s15  }
0x129: {  	[hbm4b:s20+s3] =	stream.linear.scatter [tilespmem:s16], [sflag:$0x1], $0x80, $0x38;
	[tilespmem:$0x13600] =	vst v63  }
0x12a: {  	s22 =	sadd.s32 $0x390, s14;
	s21 =	sadd.s32 $0x800, s15  }
0x12b: {  	[hbm4b:s22+s3] =	stream.linear.scatter [tilespmem:s21], [sflag:$0x1], $0x80, $0x38;
	[tilespmem:$0x13600] =	vst v63  }
0x12c: {  	s24 =	sadd.s32 $0x410, s14;
	s23 =	sadd.s32 $0xC00, s15  }
0x12d: {  	[hbm4b:s24+s3] =	stream.linear.scatter [tilespmem:s23], [sflag:$0x1], $0x80, $0x38;
	[tilespmem:$0x13600] =	vst v63  }
0x12e: {  	s26 =	sadd.s32 $0x490, s14;
	s25 =	sadd.s32 $0x1000, s15  }
0x12f: {  	[hbm4b:s26+s3] =	stream.linear.scatter [tilespmem:s25], [sflag:$0x1], $0x80, $0x38;
	[tilespmem:$0x13600] =	vst v63  }
0x130: {  	s29 =	sadd.s32 $0x510, s14;
	s28 =	sadd.s32 $0x1400, s15  }
0x131: {  	[hbm4b:s29+s3] =	stream.linear.scatter [tilespmem:s28], [sflag:$0x1], $0x80, $0x38;
	[tilespmem:$0x13600] =	vst v63  }
0x132: {  	s31 =	spop (v2sf)  }
0x133: {  	s30 =	sadd.s32 $0x590, s14;
	s15 =	sadd.s32 $0x1800, s15;
	s17 =	sshrl.u32 s31, $0x3  }
0x134: {  	(v2sf) =	vpush v5, $0xB;
	[hbm4b:s30+s3] =	stream.linear.scatter [tilespmem:s15], [sflag:$0x1], $0x80, $0x38;
	[tilespmem:$0x13600] =	vst v63  }
0x135: {  	s16 =	smul.u32 $0x6000, s17  }
0x136: {  	s15 =	sshll.u32 s31, $0x7  }
0x137: {  	s15 =	sand.u32 $0x380, s15;
	s16 =	sshra.s32 s16, $0x2  }
0x138: {  	s15 =	sor.u32 s15, s16  }
0x139: {  	s18 =	sadd.s32 $0x320, s14;
	s16 =	sor.u32 $0x400, s15  }
0x13a: {  	[hbm4b:s18+s3] =	stream.linear.scatter [tilespmem:s16], [sflag:$0x1], $0x80, $0x38;
	[tilespmem:$0x13600] =	vst v63  }
0x13b: {  	s20 =	sadd.s32 $0x3A0, s14;
	s19 =	sadd.s32 $0x800, s15  }
0x13c: {  	[hbm4b:s20+s3] =	stream.linear.scatter [tilespmem:s19], [sflag:$0x1], $0x80, $0x38;
	[tilespmem:$0x13600] =	vst v63  }
0x13d: {  	s22 =	sadd.s32 $0x420, s14;
	s21 =	sadd.s32 $0xC00, s15  }
0x13e: {  	[hbm4b:s22+s3] =	stream.linear.scatter [tilespmem:s21], [sflag:$0x1], $0x80, $0x38;
	[tilespmem:$0x13600] =	vst v63  }
0x13f: {  	s24 =	sadd.s32 $0x4A0, s14;
	s23 =	sadd.s32 $0x1000, s15  }
0x140: {  	[hbm4b:s24+s3] =	stream.linear.scatter [tilespmem:s23], [sflag:$0x1], $0x80, $0x38;
	[tilespmem:$0x13600] =	vst v63  }
0x141: {  	s26 =	sadd.s32 $0x520, s14;
	s25 =	sadd.s32 $0x1400, s15  }
0x142: {  	[hbm4b:s26+s3] =	stream.linear.scatter [tilespmem:s25], [sflag:$0x1], $0x80, $0x38;
	[tilespmem:$0x13600] =	vst v63  }
0x143: {  	s29 =	spop (v2sf)  }
0x144: {  	s28 =	sadd.s32 $0x5A0, s14;
	s15 =	sadd.s32 $0x1800, s15;
	s30 =	sshrl.u32 s29, $0x3  }
0x145: {  	(v2sf) =	vpush v5, $0xC;
	[hbm4b:s28+s3] =	stream.linear.scatter [tilespmem:s15], [sflag:$0x1], $0x80, $0x38;
	[tilespmem:$0x13600] =	vst v63  }
0x146: {  	s16 =	smul.u32 $0x6000, s30  }
0x147: {  	s15 =	sshll.u32 s29, $0x7  }
0x148: {  	s15 =	sand.u32 $0x380, s15;
	s16 =	sshra.s32 s16, $0x2  }
0x149: {  	s15 =	sor.u32 s15, s16  }
0x14a: {  	s31 =	sadd.s32 $0x330, s14;
	s16 =	sor.u32 $0x400, s15  }
0x14b: {  	[hbm4b:s31+s3] =	stream.linear.scatter [tilespmem:s16], [sflag:$0x1], $0x80, $0x38;
	[tilespmem:$0x13600] =	vst v63  }
0x14c: {  	s18 =	sadd.s32 $0x3B0, s14;
	s17 =	sadd.s32 $0x800, s15  }
0x14d: {  	[hbm4b:s18+s3] =	stream.linear.scatter [tilespmem:s17], [sflag:$0x1], $0x80, $0x38;
	[tilespmem:$0x13600] =	vst v63  }
0x14e: {  	s20 =	sadd.s32 $0x430, s14;
	s19 =	sadd.s32 $0xC00, s15  }
0x14f: {  	[hbm4b:s20+s3] =	stream.linear.scatter [tilespmem:s19], [sflag:$0x1], $0x80, $0x38;
	[tilespmem:$0x13600] =	vst v63  }
0x150: {  	s22 =	sadd.s32 $0x4B0, s14;
	s21 =	sadd.s32 $0x1000, s15  }
0x151: {  	[hbm4b:s22+s3] =	stream.linear.scatter [tilespmem:s21], [sflag:$0x1], $0x80, $0x38;
	[tilespmem:$0x13600] =	vst v63  }
0x152: {  	s24 =	sadd.s32 $0x530, s14;
	s23 =	sadd.s32 $0x1400, s15  }
0x153: {  	[hbm4b:s24+s3] =	stream.linear.scatter [tilespmem:s23], [sflag:$0x1], $0x80, $0x38;
	[tilespmem:$0x13600] =	vst v63  }
0x154: {  	s26 =	spop (v2sf)  }
0x155: {  	s25 =	sadd.s32 $0x5B0, s14;
	s15 =	sadd.s32 $0x1800, s15;
	s28 =	sshrl.u32 s26, $0x3  }
0x156: {  	(v2sf) =	vpush v5, $0xD;
	[hbm4b:s25+s3] =	stream.linear.scatter [tilespmem:s15], [sflag:$0x1], $0x80, $0x38;
	[tilespmem:$0x13600] =	vst v63  }
0x157: {  	s16 =	smul.u32 $0x6000, s28  }
0x158: {  	s15 =	sshll.u32 s26, $0x7  }
0x159: {  	s15 =	sand.u32 $0x380, s15;
	s16 =	sshra.s32 s16, $0x2  }
0x15a: {  	s15 =	sor.u32 s15, s16  }
0x15b: {  	s29 =	sadd.s32 $0x340, s14;
	s16 =	sor.u32 $0x400, s15  }
0x15c: {  	[hbm4b:s29+s3] =	stream.linear.scatter [tilespmem:s16], [sflag:$0x1], $0x80, $0x38;
	[tilespmem:$0x13600] =	vst v63  }
0x15d: {  	s31 =	sadd.s32 $0x3C0, s14;
	s30 =	sadd.s32 $0x800, s15  }
0x15e: {  	[hbm4b:s31+s3] =	stream.linear.scatter [tilespmem:s30], [sflag:$0x1], $0x80, $0x38;
	[tilespmem:$0x13600] =	vst v63  }
0x15f: {  	s18 =	sadd.s32 $0x440, s14;
	s17 =	sadd.s32 $0xC00, s15  }
0x160: {  	[hbm4b:s18+s3] =	stream.linear.scatter [tilespmem:s17], [sflag:$0x1], $0x80, $0x38;
	[tilespmem:$0x13600] =	vst v63  }
0x161: {  	s20 =	sadd.s32 $0x4C0, s14;
	s19 =	sadd.s32 $0x1000, s15  }
0x162: {  	[hbm4b:s20+s3] =	stream.linear.scatter [tilespmem:s19], [sflag:$0x1], $0x80, $0x38;
	[tilespmem:$0x13600] =	vst v63  }
0x163: {  	s22 =	sadd.s32 $0x540, s14;
	s21 =	sadd.s32 $0x1400, s15  }
0x164: {  	[hbm4b:s22+s3] =	stream.linear.scatter [tilespmem:s21], [sflag:$0x1], $0x80, $0x38;
	[tilespmem:$0x13600] =	vst v63  }
0x165: {  	s24 =	spop (v2sf)  }
0x166: {  	s23 =	sadd.s32 $0x5C0, s14;
	s15 =	sadd.s32 $0x1800, s15;
	s25 =	sshrl.u32 s24, $0x3  }
0x167: {  	(v2sf) =	vpush v5, $0xE;
	[hbm4b:s23+s3] =	stream.linear.scatter [tilespmem:s15], [sflag:$0x1], $0x80, $0x38;
	[tilespmem:$0x13600] =	vst v63  }
0x168: {  	s16 =	smul.u32 $0x6000, s25  }
0x169: {  	s15 =	sshll.u32 s24, $0x7  }
0x16a: {  	s15 =	sand.u32 $0x380, s15;
	s16 =	sshra.s32 s16, $0x2  }
0x16b: {  	s15 =	sor.u32 s15, s16  }
0x16c: {  	s26 =	sadd.s32 $0x350, s14;
	s16 =	sor.u32 $0x400, s15  }
0x16d: {  	[hbm4b:s26+s3] =	stream.linear.scatter [tilespmem:s16], [sflag:$0x1], $0x80, $0x38;
	[tilespmem:$0x13600] =	vst v63  }
0x16e: {  	s29 =	sadd.s32 $0x3D0, s14;
	s28 =	sadd.s32 $0x800, s15  }
0x16f: {  	[hbm4b:s29+s3] =	stream.linear.scatter [tilespmem:s28], [sflag:$0x1], $0x80, $0x38;
	[tilespmem:$0x13600] =	vst v63  }
0x170: {  	s31 =	sadd.s32 $0x450, s14;
	s30 =	sadd.s32 $0xC00, s15  }
0x171: {  	[hbm4b:s31+s3] =	stream.linear.scatter [tilespmem:s30], [sflag:$0x1], $0x80, $0x38;
	[tilespmem:$0x13600] =	vst v63  }
0x172: {  	s18 =	sadd.s32 $0x4D0, s14;
	s17 =	sadd.s32 $0x1000, s15  }
0x173: {  	[hbm4b:s18+s3] =	stream.linear.scatter [tilespmem:s17], [sflag:$0x1], $0x80, $0x38;
	[tilespmem:$0x13600] =	vst v63  }
0x174: {  	s20 =	sadd.s32 $0x550, s14;
	s19 =	sadd.s32 $0x1400, s15  }
0x175: {  	[hbm4b:s20+s3] =	stream.linear.scatter [tilespmem:s19], [sflag:$0x1], $0x80, $0x38;
	[tilespmem:$0x13600] =	vst v63  }
0x176: {  	s22 =	spop (v2sf)  }
0x177: {  	s21 =	sadd.s32 $0x5D0, s14;
	s15 =	sadd.s32 $0x1800, s15;
	s23 =	sshrl.u32 s22, $0x3  }
0x178: {  	(v2sf) =	vpush v5, $0xF;
	[hbm4b:s21+s3] =	stream.linear.scatter [tilespmem:s15], [sflag:$0x1], $0x80, $0x38;
	[tilespmem:$0x13600] =	vst v63  }
0x179: {  	s16 =	smul.u32 $0x6000, s23  }
0x17a: {  	s15 =	sshll.u32 s22, $0x7  }
0x17b: {  	s15 =	sand.u32 $0x380, s15;
	s16 =	sshra.s32 s16, $0x2  }
0x17c: {  	s15 =	sor.u32 s15, s16  }
0x17d: {  	s24 =	sadd.s32 $0x360, s14;
	s16 =	sor.u32 $0x400, s15  }
0x17e: {  	[hbm4b:s24+s3] =	stream.linear.scatter [tilespmem:s16], [sflag:$0x1], $0x80, $0x38;
	[tilespmem:$0x13600] =	vst v63  }
0x17f: {  	s26 =	sadd.s32 $0x3E0, s14;
	s25 =	sadd.s32 $0x800, s15  }
0x180: {  	[hbm4b:s26+s3] =	stream.linear.scatter [tilespmem:s25], [sflag:$0x1], $0x80, $0x38;
	[tilespmem:$0x13600] =	vst v63  }
0x181: {  	s29 =	sadd.s32 $0x460, s14;
	s28 =	sadd.s32 $0xC00, s15  }
0x182: {  	[hbm4b:s29+s3] =	stream.linear.scatter [tilespmem:s28], [sflag:$0x1], $0x80, $0x38;
	[tilespmem:$0x13600] =	vst v63  }
0x183: {  	s31 =	sadd.s32 $0x4E0, s14;
	s30 =	sadd.s32 $0x1000, s15  }
0x184: {  	[hbm4b:s31+s3] =	stream.linear.scatter [tilespmem:s30], [sflag:$0x1], $0x80, $0x38;
	[tilespmem:$0x13600] =	vst v63  }
0x185: {  	s18 =	sadd.s32 $0x560, s14;
	s17 =	sadd.s32 $0x1400, s15  }
0x186: {  	[hbm4b:s18+s3] =	stream.linear.scatter [tilespmem:s17], [sflag:$0x1], $0x80, $0x38;
	[tilespmem:$0x13600] =	vst v63  }
0x187: {  	s20 =	spop (v2sf)  }
0x188: {  	s19 =	sadd.s32 $0x5E0, s14;
	s15 =	sadd.s32 $0x1800, s15;
	s21 =	sshrl.u32 s20, $0x3  }
0x189: {  	[hbm4b:s19+s3] =	stream.linear.scatter [tilespmem:s15], [sflag:$0x1], $0x80, $0x38;
	[tilespmem:$0x13600] =	vst v63  }
0x18a: {  	s16 =	smul.u32 $0x6000, s21  }
0x18b: {  	s15 =	sshll.u32 s20, $0x7  }
0x18c: {  	s15 =	sand.u32 $0x380, s15;
	s16 =	sshra.s32 s16, $0x2  }
0x18d: {  	s15 =	sor.u32 s15, s16  }
0x18e: {  	s22 =	sadd.s32 $0x370, s14;
	s16 =	sor.u32 $0x400, s15  }
0x18f: {  	[hbm4b:s22+s3] =	stream.linear.scatter [tilespmem:s16], [sflag:$0x1], $0x80, $0x38;
	[tilespmem:$0x13600] =	vst v63  }
0x190: {  	s24 =	sadd.s32 $0x3F0, s14;
	s23 =	sadd.s32 $0x800, s15  }
0x191: {  	[hbm4b:s24+s3] =	stream.linear.scatter [tilespmem:s23], [sflag:$0x1], $0x80, $0x38;
	[tilespmem:$0x13600] =	vst v63  }
0x192: {  	s26 =	sadd.s32 $0x470, s14;
	s25 =	sadd.s32 $0xC00, s15  }
0x193: {  	[hbm4b:s26+s3] =	stream.linear.scatter [tilespmem:s25], [sflag:$0x1], $0x80, $0x38;
	[tilespmem:$0x13600] =	vst v63  }
0x194: {  	s29 =	sadd.s32 $0x4F0, s14;
	s28 =	sadd.s32 $0x1000, s15  }
0x195: {  	[hbm4b:s29+s3] =	stream.linear.scatter [tilespmem:s28], [sflag:$0x1], $0x80, $0x38;
	[tilespmem:$0x13600] =	vst v63  }
0x196: {  	s12 =	sadd.s32 $0x600, s12;
	s31 =	sadd.s32 $0x570, s14;
	s30 =	sadd.s32 $0x1400, s15  }
0x197: {  	[hbm4b:s31+s3] =	stream.linear.scatter [tilespmem:s30], [sflag:$0x1], $0x80, $0x38;
	[tilespmem:$0x13600] =	vst v63  }
0x198: {  	p2 =	sne.s32 s12, $0x18000;
	s14 =	sadd.s32 $0x5F0, s14;
	s15 =	sadd.s32 $0x1800, s15  }
0x199: {  	[hbm4b:s14+s3] =	stream.linear.scatter [tilespmem:s15], [sflag:$0x1], $0x80, $0x38;
	[tilespmem:$0x13600] =	vst v63  }
.Ltmp0:
0x19a: {  	p1 =	slt.u32 s13, $0x8;
	(pc) =	sbr.rel @p2 .LBB2_2-.Ltmp0, $4  }
0x19b: {  	s14 =	simm.s32 @!p1 $0x1  }
0x19c: {  	_ =	swait.ge @!p1 [sflag:s14], $0x3000  }
0x19d: {  	[sflag:s14] =	ssyncset.done @!p1 $0x0  }
0x19e: {  	s13 =	sadd.s32 $0x1, s13;
	s11 =	sadd.s32 $0x10, s11;
	[sflag:s14] =	ssyncadd.s32 @!p1 $0xFFFFD000  }
0x19f: {  	_ =	swait.ge [sflag:s9], $0x3000  }
0x1a0: {  	[sflag:s9] =	ssyncset.done $0x0  }
0x1a1: {  	[sflag:s9] =	ssyncadd.s32 $0xFFFFD000  }
0x1a2: {  	_ =	swait.ge [sflag:s9], $0x3000  }
0x1a3: {  	[sflag:s9] =	ssyncset.done $0x0  }
0x1a4: {  	[sflag:s9] =	ssyncadd.s32 $0xFFFFD000  }
0x1a5: {  	_ =	swait.ge [sflag:s9], $0x3000  }
0x1a6: {  	[sflag:s9] =	ssyncset.done $0x0  }
0x1a7: {  	[sflag:s9] =	ssyncadd.s32 $0xFFFFD000  }
0x1a8: {  	_ =	swait.ge [sflag:s9], $0x3000  }
0x1a9: {  	[sflag:s9] =	ssyncset.done $0x0  }
0x1aa: {  	[sflag:s9] =	ssyncadd.s32 $0xFFFFD000  }
0x1ab: {  	_ =	swait.ge [sflag:s9], $0x3000  }
0x1ac: {  	[sflag:s9] =	ssyncset.done $0x0  }
0x1ad: {  	[sflag:s9] =	ssyncadd.s32 $0xFFFFD000  }
0x1ae: {  	_ =	swait.ge [sflag:s9], $0x3000  }
0x1af: {  	[sflag:s9] =	ssyncset.done $0x0  }
0x1b0: {  	s10 =	sadd.s32 $0x1, s10;
	[sflag:s9] =	ssyncadd.s32 $0xFFFFD000  }
0x1b1: {  	p1 =	sne.s32 s10, s5;
	_ =	swait.ge [sflag:s9], $0x3000  }
.Ltmp1:
0x1b2: {  	[sflag:s9] =	ssyncset.done $0x0;
	(pc) =	sbr.rel @p1 .LBB2_1-.Ltmp1, $4  }
0x1b3: {  	[sflag:s9] =	ssyncadd.s32 $0xFFFFD000  }
0x1b4: {  	_ =	swait.ge [sflag:s9], $0x3000  }
0x1b5: {  	[sflag:s9] =	ssyncset.done $0x0  }
0x1b6: {  	[sflag:s9] =	ssyncadd.s32 $0xFFFFD000  }
0x1b7: {  	_ =	sfence.sel $0x180000  }
0x1b8: {  	[bflag:$0x0] =	sbarrier.arrive $0xFFFF  }
0x1b9: {  	_ =	strace $0x90000047  }
0x1ba: {  	s0 =	sadd.s32 @!p0 $0x100000, s2;
	[bflag:$0x2] =	sbarrier.arrive $0xFFFF  }
0x1bb: {  	[sflag:s0] =	ssyncadd.tile.s32 @!p0 $0x1;
	_ =	shalt  }
.Lfunc_end2:
_tile_overlayer_lowered:
.L_overlay_start_2:
0x1bc: {  	(tag) =	ssettag $0x2  }
0x1bd: {  	s0 =	rddreg [dreg:$0x0];
	s2 =	stileid.u32  }
0x1be: {  	s1 =	rddreg [dreg:$0x1];
	p0 =	sne.s32 s2, $0x0  }
0x1bf: {  	s3 =	rddreg [dreg:$0x2];
	[bflag:$0x3] =	sbarrier.arrive $0xFFFF;
	s2 =	simm.s32 @!p0 $0x1C02  }
0x1c0: {  	[timem:s3], [sflag:s2] =	dma.local @!p0 [hbm:s0], s1  }
0x1c1: {  	s0 =	simm.s32 @!p0 $0x2  }
0x1c2: {  	_ =	swait.ge @!p0 [sflag:s0], s1  }
0x1c3: {  	s1 =	ssub.s32 @!p0 $0x0, s1;
	[sflag:s0] =	ssyncset.done @!p0 $0x0  }
0x1c4: {  	[sflag:s0] =	ssyncadd.s32 @!p0 s1  }
0x1c5: {  	[bflag:$0x3] =	sbarrier.arrive $0xFFFF  }
0x1c6: {  	_ =	shalt  }

</sc_bundles>
